<compile_context>
chip_gen: v7x
topology: tpu7x:2x2x1
jax: 0.10.2.dev20260603
libtpu: 0.0.44.dev20260713+nightly
codegen_flags: <defaults>
</compile_context>

<pallas_src>
import jax
import jax.numpy as jnp
from jax import lax
from jax.experimental import pallas as pl
from jax.experimental.pallas import tpu as pltpu
from jax.experimental.pallas import tpu_sc as plsc

B_TOK = 8192
D = 256
K = 8192
COMMIT_W = 0.25

BX = 1024

SC_CORES = 2
SC_SUBCORES = 16
NW = SC_CORES * SC_SUBCORES
BPW = B_TOK // NW
GCHUNK = 128


def _dist_argmin_body(x_ref, cb_ref, ids_ref, x2, cn_sc):
    i = pl.program_id(0)

    xx = x_ref[...]
    x2[...] = xx * -2.0

    c = cb_ref[...]

    @pl.when(i == 0)
    def _():
        cn_sc[...] = jnp.sum(c * c, axis=1, keepdims=True)

    xc2 = lax.dot_general(
        c, x2[...], (((1,), (1,)), ((), ())),
        preferred_element_type=jnp.float32,
        precision=lax.Precision.DEFAULT,
    )
    distT = xc2 + cn_sc[...]
    ids_ref[...] = jnp.argmin(distT, axis=0).astype(jnp.int32)


def _dist_argmin(x, codebook):
    nxb = B_TOK // BX
    return pl.pallas_call(
        _dist_argmin_body,
        grid=(nxb,),
        in_specs=[
            pl.BlockSpec((BX, D), lambda i: (i, 0)),
            pl.BlockSpec((K, D), lambda i: (0, 0)),
        ],
        out_specs=pl.BlockSpec((BX,), lambda i: (i,)),
        out_shape=jax.ShapeDtypeStruct((B_TOK,), jnp.int32),
        scratch_shapes=[
            pltpu.VMEM((BX, D), jnp.float32),
            pltpu.VMEM((K, 1), jnp.float32),
        ],
    )(x, codebook)


def _gather_loss_body(cb_hbm, x_hbm, ids_hbm, out_hbm, part_hbm,
                      idx0, idx1, rows0, rows1, xv, accv,
                      semg0, semg1, semx, semo):
    cid = lax.axis_index("c")
    sid = lax.axis_index("s")
    wid = sid * SC_CORES + cid
    base = wid * BPW

    pltpu.sync_copy(ids_hbm.at[pl.ds(base, GCHUNK)], idx0)
    g0 = pltpu.async_copy(cb_hbm.at[idx0], rows0, semg0)
    pltpu.sync_copy(ids_hbm.at[pl.ds(base + GCHUNK, GCHUNK)], idx1)
    g1 = pltpu.async_copy(cb_hbm.at[idx1], rows1, semg1)
    x0 = pltpu.async_copy(x_hbm.at[pl.ds(base, GCHUNK)], xv, semx)

    def sq_acc(rows, acc):
        def body(r, a):
            for v in range(D // 16):
                dlt = (xv[r, pl.ds(16 * v, 16)]
                       - rows[r, pl.ds(16 * v, 16)])
                a = a + dlt * dlt
            return a
        return lax.fori_loop(0, GCHUNK, body, acc)

    g0.wait()
    x0.wait()
    o0 = pltpu.async_copy(rows0, out_hbm.at[pl.ds(base, GCHUNK)], semo)
    acc = sq_acc(rows0, jnp.zeros((16,), jnp.float32))
    pltpu.sync_copy(x_hbm.at[pl.ds(base + GCHUNK, GCHUNK)], xv)
    g1.wait()
    o1 = pltpu.async_copy(rows1, out_hbm.at[pl.ds(base + GCHUNK, GCHUNK)],
                          semo)
    acc = sq_acc(rows1, acc)
    accv[...] = acc * ((1.0 + COMMIT_W) / B_TOK)
    o0.wait()
    o1.wait()
    pltpu.sync_copy(accv, part_hbm.at[wid])


def _sc_gather_loss(codebook, x, ids):
    mesh = plsc.VectorSubcoreMesh(
        core_axis_name="c", subcore_axis_name="s",
        num_cores=SC_CORES, num_subcores=SC_SUBCORES,
    )
    return pl.kernel(
        _gather_loss_body,
        out_type=(
            jax.ShapeDtypeStruct((B_TOK, D), jnp.float32),
            jax.ShapeDtypeStruct((NW, 16), jnp.float32),
        ),
        mesh=mesh,
        scratch_types=[
            pltpu.VMEM((GCHUNK,), jnp.int32),
            pltpu.VMEM((GCHUNK,), jnp.int32),
            pltpu.VMEM((GCHUNK, D), jnp.float32),
            pltpu.VMEM((GCHUNK, D), jnp.float32),
            pltpu.VMEM((GCHUNK, D), jnp.float32),
            pltpu.VMEM((16,), jnp.float32),
            pltpu.SemaphoreType.DMA,
            pltpu.SemaphoreType.DMA,
            pltpu.SemaphoreType.DMA,
            pltpu.SemaphoreType.DMA,
        ],
    )(codebook, x, ids)


def kernel(x, temperature, codebook):
    ids = _dist_argmin(x, codebook)
    emb_out, part = _sc_gather_loss(codebook, x, ids)
    loss = jnp.sum(part)
    return emb_out, ids, loss

# --- scband reference (transcript-rebuilt; emitter-appended) ---
"""Pipeline reference for scband-quantize-61177514164441 (READ-ONLY COPY).

The authoritative reference and input builder live on the scoring server;
editing this copy changes nothing except your own understanding.
"""

import jax, jax.numpy as jnp
import numpy as np

EMBED_DIM = 256
N_EMBED = 8192
B = 8192
COMMITMENT_WEIGHT = 0.25


def setup_inputs(seed: int = 0) -> dict:
    key = jax.random.key(seed)
    k1, k2 = jax.random.split(key)
    x = jax.random.normal(k1, (B, EMBED_DIM), dtype=jnp.float32)
    # nn.init.uniform_ on nn.Embedding weight -> U[0, 1)
    codebook = jax.random.uniform(k2, (N_EMBED, EMBED_DIM), dtype=jnp.float32)
    temperature = jnp.float32(1.0)
    return {"x": x, "temperature": temperature, "codebook": codebook}


def reference(x, temperature, codebook):
    # eval-mode forward of Quantize with sim_vq=False, codebook_normalize=False
    # (out_proj is identity), distance_mode=L2, do_kmeans_init skipped.
    sg = jax.lax.stop_gradient
    # L2 distance: ||x||^2 + ||c||^2 - 2 x c^T
    dist = (
        jnp.sum(x ** 2, axis=1, keepdims=True)
        + jnp.sum((codebook.T) ** 2, axis=0, keepdims=True)
        - 2.0 * (x @ codebook.T)
    )
    ids = jnp.argmin(sg(dist), axis=1)
    # get_item_embeddings(ids) with identity out_proj -> plain gather
    emb_out = jnp.take(codebook, ids, axis=0)
    # QuantizeLoss(commitment_weight): codebook loss + commitment loss
    emb_loss = jnp.mean(jnp.sum((sg(x) - emb_out) ** 2, axis=-1))
    commit_loss = jnp.mean(jnp.sum((x - sg(emb_out)) ** 2, axis=-1))
    loss = emb_loss + COMMITMENT_WEIGHT * commit_loss
    return emb_out, ids, loss

if __name__ == "__main__":
    import jax
    _d = setup_inputs()
    print(jax.jit(kernel)(*tuple(_d.values())))

</pallas_src>

<mosaic_0001>
#map = affine_map<(d0, d1) -> (0, 0)>
#map1 = affine_map<(d0, d1) -> (0)>
module attributes {stable_mosaic.version = 14 : i64} {
  func.func @_gather_loss_body(%arg0: i32, %arg1: i32, %arg2: memref<8192x256xf32, #tpu.memory_space<hbm>>, %arg3: memref<8192x256xf32, #tpu.memory_space<hbm>>, %arg4: memref<8192xi32, #tpu.memory_space<hbm>>, %arg5: memref<8192x256xf32, #tpu.memory_space<hbm>>, %arg6: memref<32x16xf32, #tpu.memory_space<hbm>>, %arg7: memref<128xi32, #tpu.memory_space<vmem>>, %arg8: memref<128xi32, #tpu.memory_space<vmem>>, %arg9: memref<128x256xf32, #tpu.memory_space<vmem>>, %arg10: memref<128x256xf32, #tpu.memory_space<vmem>>, %arg11: memref<128x256xf32, #tpu.memory_space<vmem>>, %arg12: memref<16xf32, #tpu.memory_space<vmem>>, %arg13: memref<!tpu.dma_semaphore, #tpu.memory_space<semaphore_mem>>, %arg14: memref<!tpu.dma_semaphore, #tpu.memory_space<semaphore_mem>>, %arg15: memref<!tpu.dma_semaphore, #tpu.memory_space<semaphore_mem>>, %arg16: memref<!tpu.dma_semaphore, #tpu.memory_space<semaphore_mem>>) attributes {dimension_semantics = [#tpu.dimension_semantics<core_parallel>, #tpu.dimension_semantics<subcore_parallel>], iteration_bounds = array<i64: 2, 16>, scalar_prefetch = 0 : i64, scratch_operands = 10 : i64, tpu.core_type = #tpu.core_type<sc_vector_subcore>, window_params = [{transform_indices = #map}, {transform_indices = #map}, {transform_indices = #map1}, {transform_indices = #map}, {transform_indices = #map}]} {
    %mul3A = arith.constant 2 : i32
    %mul3A_0 = arith.muli %arg1, %mul3A : i32
    %add3A = arith.addi %mul3A_0, %arg0 : i32
    %mul3A_1 = arith.constant 256 : i32
    %mul3A_2 = arith.muli %add3A, %mul3A_1 : i32
    "tpu.region"() ({
      %run_scoped3A = tpu.sem_alloc : memref<!tpu.dma_semaphore, #tpu.memory_space<semaphore_mem>>
      %dma_start3A_61 = tpu.memref_slice %arg4[%mul3A_2] : memref<8192xi32, #tpu.memory_space<hbm>> -> memref<128xi32, #tpu.memory_space<hbm>>
      %dma_start3A_62 = tpu.memref_slice %arg4[%mul3A_2] : memref<8192xi32, #tpu.memory_space<hbm>> -> memref<128xi32, #tpu.memory_space<hbm>>
      tpu.enqueue_dma source(%dma_start3A_62 : memref<128xi32, #tpu.memory_space<hbm>>) target(%arg7 : memref<128xi32, #tpu.memory_space<vmem>>) target_semaphore(%run_scoped3A : memref<!tpu.dma_semaphore, #tpu.memory_space<semaphore_mem>>)
      %dma_wait3A_63 = tpu.memref_slice %arg4[%mul3A_2] : memref<8192xi32, #tpu.memory_space<hbm>> -> memref<128xi32, #tpu.memory_space<hbm>>
      %dma_wait3A_64 = tpu.memref_slice %arg4[%mul3A_2] : memref<8192xi32, #tpu.memory_space<hbm>> -> memref<128xi32, #tpu.memory_space<hbm>>
      tpu.wait_dma2 semaphore(%run_scoped3A : memref<!tpu.dma_semaphore, #tpu.memory_space<semaphore_mem>>) src(%dma_wait3A_64 : memref<128xi32, #tpu.memory_space<hbm>>) dst(%arg7 : memref<128xi32, #tpu.memory_space<vmem>>)
      tpu.yield
    }) : () -> ()
    %dma_start3A = arith.constant 0 : i32
    %dma_start3A_3 = arith.constant 0 : i32
    %dma_start3A_4 = tpu.memref_slice %arg2[%dma_start3A, %dma_start3A_3] : memref<8192x256xf32, #tpu.memory_space<hbm>> -> memref<8192x256xf32, #tpu.memory_space<hbm>>
    tpu.enqueue_indirect_dma source(%dma_start3A_4 : memref<8192x256xf32, #tpu.memory_space<hbm>>) target(%arg9 : memref<128x256xf32, #tpu.memory_space<vmem>>) offsets(%arg7 : memref<128xi32, #tpu.memory_space<vmem>>) semaphore(%arg13 : memref<!tpu.dma_semaphore, #tpu.memory_space<semaphore_mem>>)
    %add3A_5 = arith.constant 128 : i32
    %add3A_6 = arith.addi %mul3A_2, %add3A_5 : i32
    "tpu.region"() ({
      %run_scoped3A = tpu.sem_alloc : memref<!tpu.dma_semaphore, #tpu.memory_space<semaphore_mem>>
      %dma_start3A_61 = tpu.memref_slice %arg4[%add3A_6] : memref<8192xi32, #tpu.memory_space<hbm>> -> memref<128xi32, #tpu.memory_space<hbm>>
      %dma_start3A_62 = tpu.memref_slice %arg4[%add3A_6] : memref<8192xi32, #tpu.memory_space<hbm>> -> memref<128xi32, #tpu.memory_space<hbm>>
      tpu.enqueue_dma source(%dma_start3A_62 : memref<128xi32, #tpu.memory_space<hbm>>) target(%arg8 : memref<128xi32, #tpu.memory_space<vmem>>) target_semaphore(%run_scoped3A : memref<!tpu.dma_semaphore, #tpu.memory_space<semaphore_mem>>)
      %dma_wait3A_63 = tpu.memref_slice %arg4[%add3A_6] : memref<8192xi32, #tpu.memory_space<hbm>> -> memref<128xi32, #tpu.memory_space<hbm>>
      %dma_wait3A_64 = tpu.memref_slice %arg4[%add3A_6] : memref<8192xi32, #tpu.memory_space<hbm>> -> memref<128xi32, #tpu.memory_space<hbm>>
      tpu.wait_dma2 semaphore(%run_scoped3A : memref<!tpu.dma_semaphore, #tpu.memory_space<semaphore_mem>>) src(%dma_wait3A_64 : memref<128xi32, #tpu.memory_space<hbm>>) dst(%arg8 : memref<128xi32, #tpu.memory_space<vmem>>)
      tpu.yield
    }) : () -> ()
    %dma_start3A_7 = arith.constant 0 : i32
    %dma_start3A_8 = arith.constant 0 : i32
    %dma_start3A_9 = tpu.memref_slice %arg2[%dma_start3A_7, %dma_start3A_8] : memref<8192x256xf32, #tpu.memory_space<hbm>> -> memref<8192x256xf32, #tpu.memory_space<hbm>>
    tpu.enqueue_indirect_dma source(%dma_start3A_9 : memref<8192x256xf32, #tpu.memory_space<hbm>>) target(%arg10 : memref<128x256xf32, #tpu.memory_space<vmem>>) offsets(%arg8 : memref<128xi32, #tpu.memory_space<vmem>>) semaphore(%arg14 : memref<!tpu.dma_semaphore, #tpu.memory_space<semaphore_mem>>)
    %dma_start3A_10 = arith.constant 0 : i32
    %dma_start3A_11 = tpu.memref_slice %arg3[%mul3A_2, %dma_start3A_10] : memref<8192x256xf32, #tpu.memory_space<hbm>> -> memref<128x256xf32, #tpu.memory_space<hbm>>
    %dma_start3A_12 = arith.constant 0 : i32
    %dma_start3A_13 = tpu.memref_slice %arg3[%mul3A_2, %dma_start3A_12] : memref<8192x256xf32, #tpu.memory_space<hbm>> -> memref<128x256xf32, #tpu.memory_space<hbm>>
    tpu.enqueue_dma source(%dma_start3A_13 : memref<128x256xf32, #tpu.memory_space<hbm>>) target(%arg11 : memref<128x256xf32, #tpu.memory_space<vmem>>) target_semaphore(%arg15 : memref<!tpu.dma_semaphore, #tpu.memory_space<semaphore_mem>>)
    %dma_wait3A = arith.constant 0 : i32
    %dma_wait3A_14 = arith.constant 0 : i32
    %dma_wait3A_15 = tpu.memref_slice %arg2[%dma_wait3A, %dma_wait3A_14] : memref<8192x256xf32, #tpu.memory_space<hbm>> -> memref<8192x256xf32, #tpu.memory_space<hbm>>
    tpu.wait_indirect_dma semaphore(%arg13 : memref<!tpu.dma_semaphore, #tpu.memory_space<semaphore_mem>>) src(%dma_wait3A_15 : memref<8192x256xf32, #tpu.memory_space<hbm>>) dst(%arg9 : memref<128x256xf32, #tpu.memory_space<vmem>>)
    %dma_wait3A_16 = arith.constant 0 : i32
    %dma_wait3A_17 = tpu.memref_slice %arg3[%mul3A_2, %dma_wait3A_16] : memref<8192x256xf32, #tpu.memory_space<hbm>> -> memref<128x256xf32, #tpu.memory_space<hbm>>
    %dma_wait3A_18 = arith.constant 0 : i32
    %dma_wait3A_19 = tpu.memref_slice %arg3[%mul3A_2, %dma_wait3A_18] : memref<8192x256xf32, #tpu.memory_space<hbm>> -> memref<128x256xf32, #tpu.memory_space<hbm>>
    tpu.wait_dma2 semaphore(%arg15 : memref<!tpu.dma_semaphore, #tpu.memory_space<semaphore_mem>>) src(%dma_wait3A_19 : memref<128x256xf32, #tpu.memory_space<hbm>>) dst(%arg11 : memref<128x256xf32, #tpu.memory_space<vmem>>)
    %dma_start3A_20 = arith.constant 0 : i32
    %dma_start3A_21 = tpu.memref_slice %arg5[%mul3A_2, %dma_start3A_20] : memref<8192x256xf32, #tpu.memory_space<hbm>> -> memref<128x256xf32, #tpu.memory_space<hbm>>
    %dma_start3A_22 = arith.constant 0 : i32
    %dma_start3A_23 = tpu.memref_slice %arg5[%mul3A_2, %dma_start3A_22] : memref<8192x256xf32, #tpu.memory_space<hbm>> -> memref<128x256xf32, #tpu.memory_space<hbm>>
    tpu.enqueue_dma source(%arg9 : memref<128x256xf32, #tpu.memory_space<vmem>>) target(%dma_start3A_23 : memref<128x256xf32, #tpu.memory_space<hbm>>) target_semaphore(%arg16 : memref<!tpu.dma_semaphore, #tpu.memory_space<semaphore_mem>>)
    %broadcast_in_dim3A = arith.constant 0.000000e+00 : f32
    %broadcast_in_dim3A_24 = vector.broadcast %broadcast_in_dim3A : f32 to vector<16xf32>
    %scan3A = arith.constant 0 : i32
    %scan3A_25 = arith.constant 128 : i32
    %scan3A_26 = arith.addi %scan3A, %scan3A_25 : i32
    %scan3A_27 = arith.constant 1 : i32
    %scan3A_28 = scf.for %scan3A_61 = %scan3A to %scan3A_26 step %scan3A_27 iter_args(%scan3A_62 = %broadcast_in_dim3A_24) -> (vector<16xf32>)  : i32 {
      %get3A = arith.index_cast %scan3A_61 : i32 to index
      %get3A_63 = arith.constant 0 : index
      %get3A_64 = tpu.vector_load %arg11[%get3A, %get3A_63] {strides = array<i32>} : memref<128x256xf32, #tpu.memory_space<vmem>>, vector<1x16xf32>,
      %get3A_65 = vector.shape_cast %get3A_64 : vector<1x16xf32> to vector<16xf32>
      %get3A_66 = arith.index_cast %scan3A_61 : i32 to index
      %get3A_67 = arith.constant 0 : index
      %get3A_68 = tpu.vector_load %arg9[%get3A_66, %get3A_67] {strides = array<i32>} : memref<128x256xf32, #tpu.memory_space<vmem>>, vector<1x16xf32>,
      %get3A_69 = vector.shape_cast %get3A_68 : vector<1x16xf32> to vector<16xf32>
      %sub3A = arith.subf %get3A_65, %get3A_69 : vector<16xf32>
      %mul3A_70 = arith.mulf %sub3A, %sub3A : vector<16xf32>
      %add3A_71 = arith.addf %scan3A_62, %mul3A_70 : vector<16xf32>
      %get3A_72 = arith.index_cast %scan3A_61 : i32 to index
      %get3A_73 = arith.constant 16 : index
      %get3A_74 = tpu.vector_load %arg11[%get3A_72, %get3A_73] {strides = array<i32>} : memref<128x256xf32, #tpu.memory_space<vmem>>, vector<1x16xf32>,
      %get3A_75 = vector.shape_cast %get3A_74 : vector<1x16xf32> to vector<16xf32>
      %get3A_76 = arith.index_cast %scan3A_61 : i32 to index
      %get3A_77 = arith.constant 16 : index
      %get3A_78 = tpu.vector_load %arg9[%get3A_76, %get3A_77] {strides = array<i32>} : memref<128x256xf32, #tpu.memory_space<vmem>>, vector<1x16xf32>,
      %get3A_79 = vector.shape_cast %get3A_78 : vector<1x16xf32> to vector<16xf32>
      %sub3A_80 = arith.subf %get3A_75, %get3A_79 : vector<16xf32>
      %mul3A_81 = arith.mulf %sub3A_80, %sub3A_80 : vector<16xf32>
      %add3A_82 = arith.addf %add3A_71, %mul3A_81 : vector<16xf32>
      %get3A_83 = arith.index_cast %scan3A_61 : i32 to index
      %get3A_84 = arith.constant 32 : index
      %get3A_85 = tpu.vector_load %arg11[%get3A_83, %get3A_84] {strides = array<i32>} : memref<128x256xf32, #tpu.memory_space<vmem>>, vector<1x16xf32>,
      %get3A_86 = vector.shape_cast %get3A_85 : vector<1x16xf32> to vector<16xf32>
      %get3A_87 = arith.index_cast %scan3A_61 : i32 to index
      %get3A_88 = arith.constant 32 : index
      %get3A_89 = tpu.vector_load %arg9[%get3A_87, %get3A_88] {strides = array<i32>} : memref<128x256xf32, #tpu.memory_space<vmem>>, vector<1x16xf32>,
      %get3A_90 = vector.shape_cast %get3A_89 : vector<1x16xf32> to vector<16xf32>
      %sub3A_91 = arith.subf %get3A_86, %get3A_90 : vector<16xf32>
      %mul3A_92 = arith.mulf %sub3A_91, %sub3A_91 : vector<16xf32>
      %add3A_93 = arith.addf %add3A_82, %mul3A_92 : vector<16xf32>
      %get3A_94 = arith.index_cast %scan3A_61 : i32 to index
      %get3A_95 = arith.constant 48 : index
      %get3A_96 = tpu.vector_load %arg11[%get3A_94, %get3A_95] {strides = array<i32>} : memref<128x256xf32, #tpu.memory_space<vmem>>, vector<1x16xf32>,
      %get3A_97 = vector.shape_cast %get3A_96 : vector<1x16xf32> to vector<16xf32>
      %get3A_98 = arith.index_cast %scan3A_61 : i32 to index
      %get3A_99 = arith.constant 48 : index
      %get3A_100 = tpu.vector_load %arg9[%get3A_98, %get3A_99] {strides = array<i32>} : memref<128x256xf32, #tpu.memory_space<vmem>>, vector<1x16xf32>,
      %get3A_101 = vector.shape_cast %get3A_100 : vector<1x16xf32> to vector<16xf32>
      %sub3A_102 = arith.subf %get3A_97, %get3A_101 : vector<16xf32>
      %mul3A_103 = arith.mulf %sub3A_102, %sub3A_102 : vector<16xf32>
      %add3A_104 = arith.addf %add3A_93, %mul3A_103 : vector<16xf32>
      %get3A_105 = arith.index_cast %scan3A_61 : i32 to index
      %get3A_106 = arith.constant 64 : index
      %get3A_107 = tpu.vector_load %arg11[%get3A_105, %get3A_106] {strides = array<i32>} : memref<128x256xf32, #tpu.memory_space<vmem>>, vector<1x16xf32>,
      %get3A_108 = vector.shape_cast %get3A_107 : vector<1x16xf32> to vector<16xf32>
      %get3A_109 = arith.index_cast %scan3A_61 : i32 to index
      %get3A_110 = arith.constant 64 : index
      %get3A_111 = tpu.vector_load %arg9[%get3A_109, %get3A_110] {strides = array<i32>} : memref<128x256xf32, #tpu.memory_space<vmem>>, vector<1x16xf32>,
      %get3A_112 = vector.shape_cast %get3A_111 : vector<1x16xf32> to vector<16xf32>
      %sub3A_113 = arith.subf %get3A_108, %get3A_112 : vector<16xf32>
      %mul3A_114 = arith.mulf %sub3A_113, %sub3A_113 : vector<16xf32>
      %add3A_115 = arith.addf %add3A_104, %mul3A_114 : vector<16xf32>
      %get3A_116 = arith.index_cast %scan3A_61 : i32 to index
      %get3A_117 = arith.constant 80 : index
      %get3A_118 = tpu.vector_load %arg11[%get3A_116, %get3A_117] {strides = array<i32>} : memref<128x256xf32, #tpu.memory_space<vmem>>, vector<1x16xf32>,
      %get3A_119 = vector.shape_cast %get3A_118 : vector<1x16xf32> to vector<16xf32>
      %get3A_120 = arith.index_cast %scan3A_61 : i32 to index
      %get3A_121 = arith.constant 80 : index
      %get3A_122 = tpu.vector_load %arg9[%get3A_120, %get3A_121] {strides = array<i32>} : memref<128x256xf32, #tpu.memory_space<vmem>>, vector<1x16xf32>,
      %get3A_123 = vector.shape_cast %get3A_122 : vector<1x16xf32> to vector<16xf32>
      %sub3A_124 = arith.subf %get3A_119, %get3A_123 : vector<16xf32>
      %mul3A_125 = arith.mulf %sub3A_124, %sub3A_124 : vector<16xf32>
      %add3A_126 = arith.addf %add3A_115, %mul3A_125 : vector<16xf32>
      %get3A_127 = arith.index_cast %scan3A_61 : i32 to index
      %get3A_128 = arith.constant 96 : index
      %get3A_129 = tpu.vector_load %arg11[%get3A_127, %get3A_128] {strides = array<i32>} : memref<128x256xf32, #tpu.memory_space<vmem>>, vector<1x16xf32>,
      %get3A_130 = vector.shape_cast %get3A_129 : vector<1x16xf32> to vector<16xf32>
      %get3A_131 = arith.index_cast %scan3A_61 : i32 to index
      %get3A_132 = arith.constant 96 : index
      %get3A_133 = tpu.vector_load %arg9[%get3A_131, %get3A_132] {strides = array<i32>} : memref<128x256xf32, #tpu.memory_space<vmem>>, vector<1x16xf32>,
      %get3A_134 = vector.shape_cast %get3A_133 : vector<1x16xf32> to vector<16xf32>
      %sub3A_135 = arith.subf %get3A_130, %get3A_134 : vector<16xf32>
      %mul3A_136 = arith.mulf %sub3A_135, %sub3A_135 : vector<16xf32>
      %add3A_137 = arith.addf %add3A_126, %mul3A_136 : vector<16xf32>
      %get3A_138 = arith.index_cast %scan3A_61 : i32 to index
      %get3A_139 = arith.constant 112 : index
      %get3A_140 = tpu.vector_load %arg11[%get3A_138, %get3A_139] {strides = array<i32>} : memref<128x256xf32, #tpu.memory_space<vmem>>, vector<1x16xf32>,
      %get3A_141 = vector.shape_cast %get3A_140 : vector<1x16xf32> to vector<16xf32>
      %get3A_142 = arith.index_cast %scan3A_61 : i32 to index
      %get3A_143 = arith.constant 112 : index
      %get3A_144 = tpu.vector_load %arg9[%get3A_142, %get3A_143] {strides = array<i32>} : memref<128x256xf32, #tpu.memory_space<vmem>>, vector<1x16xf32>,
      %get3A_145 = vector.shape_cast %get3A_144 : vector<1x16xf32> to vector<16xf32>
      %sub3A_146 = arith.subf %get3A_141, %get3A_145 : vector<16xf32>
      %mul3A_147 = arith.mulf %sub3A_146, %sub3A_146 : vector<16xf32>
      %add3A_148 = arith.addf %add3A_137, %mul3A_147 : vector<16xf32>
      %get3A_149 = arith.index_cast %scan3A_61 : i32 to index
      %get3A_150 = arith.constant 128 : index
      %get3A_151 = tpu.vector_load %arg11[%get3A_149, %get3A_150] {strides = array<i32>} : memref<128x256xf32, #tpu.memory_space<vmem>>, vector<1x16xf32>,
      %get3A_152 = vector.shape_cast %get3A_151 : vector<1x16xf32> to vector<16xf32>
      %get3A_153 = arith.index_cast %scan3A_61 : i32 to index
      %get3A_154 = arith.constant 128 : index
      %get3A_155 = tpu.vector_load %arg9[%get3A_153, %get3A_154] {strides = array<i32>} : memref<128x256xf32, #tpu.memory_space<vmem>>, vector<1x16xf32>,
      %get3A_156 = vector.shape_cast %get3A_155 : vector<1x16xf32> to vector<16xf32>
      %sub3A_157 = arith.subf %get3A_152, %get3A_156 : vector<16xf32>
      %mul3A_158 = arith.mulf %sub3A_157, %sub3A_157 : vector<16xf32>
      %add3A_159 = arith.addf %add3A_148, %mul3A_158 : vector<16xf32>
      %get3A_160 = arith.index_cast %scan3A_61 : i32 to index
      %get3A_161 = arith.constant 144 : index
      %get3A_162 = tpu.vector_load %arg11[%get3A_160, %get3A_161] {strides = array<i32>} : memref<128x256xf32, #tpu.memory_space<vmem>>, vector<1x16xf32>,
      %get3A_163 = vector.shape_cast %get3A_162 : vector<1x16xf32> to vector<16xf32>
      %get3A_164 = arith.index_cast %scan3A_61 : i32 to index
      %get3A_165 = arith.constant 144 : index
      %get3A_166 = tpu.vector_load %arg9[%get3A_164, %get3A_165] {strides = array<i32>} : memref<128x256xf32, #tpu.memory_space<vmem>>, vector<1x16xf32>,
      %get3A_167 = vector.shape_cast %get3A_166 : vector<1x16xf32> to vector<16xf32>
      %sub3A_168 = arith.subf %get3A_163, %get3A_167 : vector<16xf32>
      %mul3A_169 = arith.mulf %sub3A_168, %sub3A_168 : vector<16xf32>
      %add3A_170 = arith.addf %add3A_159, %mul3A_169 : vector<16xf32>
      %get3A_171 = arith.index_cast %scan3A_61 : i32 to index
      %get3A_172 = arith.constant 160 : index
      %get3A_173 = tpu.vector_load %arg11[%get3A_171, %get3A_172] {strides = array<i32>} : memref<128x256xf32, #tpu.memory_space<vmem>>, vector<1x16xf32>,
      %get3A_174 = vector.shape_cast %get3A_173 : vector<1x16xf32> to vector<16xf32>
      %get3A_175 = arith.index_cast %scan3A_61 : i32 to index
      %get3A_176 = arith.constant 160 : index
      %get3A_177 = tpu.vector_load %arg9[%get3A_175, %get3A_176] {strides = array<i32>} : memref<128x256xf32, #tpu.memory_space<vmem>>, vector<1x16xf32>,
      %get3A_178 = vector.shape_cast %get3A_177 : vector<1x16xf32> to vector<16xf32>
      %sub3A_179 = arith.subf %get3A_174, %get3A_178 : vector<16xf32>
      %mul3A_180 = arith.mulf %sub3A_179, %sub3A_179 : vector<16xf32>
      %add3A_181 = arith.addf %add3A_170, %mul3A_180 : vector<16xf32>
      %get3A_182 = arith.index_cast %scan3A_61 : i32 to index
      %get3A_183 = arith.constant 176 : index
      %get3A_184 = tpu.vector_load %arg11[%get3A_182, %get3A_183] {strides = array<i32>} : memref<128x256xf32, #tpu.memory_space<vmem>>, vector<1x16xf32>,
      %get3A_185 = vector.shape_cast %get3A_184 : vector<1x16xf32> to vector<16xf32>
      %get3A_186 = arith.index_cast %scan3A_61 : i32 to index
      %get3A_187 = arith.constant 176 : index
      %get3A_188 = tpu.vector_load %arg9[%get3A_186, %get3A_187] {strides = array<i32>} : memref<128x256xf32, #tpu.memory_space<vmem>>, vector<1x16xf32>,
      %get3A_189 = vector.shape_cast %get3A_188 : vector<1x16xf32> to vector<16xf32>
      %sub3A_190 = arith.subf %get3A_185, %get3A_189 : vector<16xf32>
      %mul3A_191 = arith.mulf %sub3A_190, %sub3A_190 : vector<16xf32>
      %add3A_192 = arith.addf %add3A_181, %mul3A_191 : vector<16xf32>
      %get3A_193 = arith.index_cast %scan3A_61 : i32 to index
      %get3A_194 = arith.constant 192 : index
      %get3A_195 = tpu.vector_load %arg11[%get3A_193, %get3A_194] {strides = array<i32>} : memref<128x256xf32, #tpu.memory_space<vmem>>, vector<1x16xf32>,
      %get3A_196 = vector.shape_cast %get3A_195 : vector<1x16xf32> to vector<16xf32>
      %get3A_197 = arith.index_cast %scan3A_61 : i32 to index
      %get3A_198 = arith.constant 192 : index
      %get3A_199 = tpu.vector_load %arg9[%get3A_197, %get3A_198] {strides = array<i32>} : memref<128x256xf32, #tpu.memory_space<vmem>>, vector<1x16xf32>,
      %get3A_200 = vector.shape_cast %get3A_199 : vector<1x16xf32> to vector<16xf32>
      %sub3A_201 = arith.subf %get3A_196, %get3A_200 : vector<16xf32>
      %mul3A_202 = arith.mulf %sub3A_201, %sub3A_201 : vector<16xf32>
      %add3A_203 = arith.addf %add3A_192, %mul3A_202 : vector<16xf32>
      %get3A_204 = arith.index_cast %scan3A_61 : i32 to index
      %get3A_205 = arith.constant 208 : index
      %get3A_206 = tpu.vector_load %arg11[%get3A_204, %get3A_205] {strides = array<i32>} : memref<128x256xf32, #tpu.memory_space<vmem>>, vector<1x16xf32>,
      %get3A_207 = vector.shape_cast %get3A_206 : vector<1x16xf32> to vector<16xf32>
      %get3A_208 = arith.index_cast %scan3A_61 : i32 to index
      %get3A_209 = arith.constant 208 : index
      %get3A_210 = tpu.vector_load %arg9[%get3A_208, %get3A_209] {strides = array<i32>} : memref<128x256xf32, #tpu.memory_space<vmem>>, vector<1x16xf32>,
      %get3A_211 = vector.shape_cast %get3A_210 : vector<1x16xf32> to vector<16xf32>
      %sub3A_212 = arith.subf %get3A_207, %get3A_211 : vector<16xf32>
      %mul3A_213 = arith.mulf %sub3A_212, %sub3A_212 : vector<16xf32>
      %add3A_214 = arith.addf %add3A_203, %mul3A_213 : vector<16xf32>
      %get3A_215 = arith.index_cast %scan3A_61 : i32 to index
      %get3A_216 = arith.constant 224 : index
      %get3A_217 = tpu.vector_load %arg11[%get3A_215, %get3A_216] {strides = array<i32>} : memref<128x256xf32, #tpu.memory_space<vmem>>, vector<1x16xf32>,
      %get3A_218 = vector.shape_cast %get3A_217 : vector<1x16xf32> to vector<16xf32>
      %get3A_219 = arith.index_cast %scan3A_61 : i32 to index
      %get3A_220 = arith.constant 224 : index
      %get3A_221 = tpu.vector_load %arg9[%get3A_219, %get3A_220] {strides = array<i32>} : memref<128x256xf32, #tpu.memory_space<vmem>>, vector<1x16xf32>,
      %get3A_222 = vector.shape_cast %get3A_221 : vector<1x16xf32> to vector<16xf32>
      %sub3A_223 = arith.subf %get3A_218, %get3A_222 : vector<16xf32>
      %mul3A_224 = arith.mulf %sub3A_223, %sub3A_223 : vector<16xf32>
      %add3A_225 = arith.addf %add3A_214, %mul3A_224 : vector<16xf32>
      %get3A_226 = arith.index_cast %scan3A_61 : i32 to index
      %get3A_227 = arith.constant 240 : index
      %get3A_228 = tpu.vector_load %arg11[%get3A_226, %get3A_227] {strides = array<i32>} : memref<128x256xf32, #tpu.memory_space<vmem>>, vector<1x16xf32>,
      %get3A_229 = vector.shape_cast %get3A_228 : vector<1x16xf32> to vector<16xf32>
      %get3A_230 = arith.index_cast %scan3A_61 : i32 to index
      %get3A_231 = arith.constant 240 : index
      %get3A_232 = tpu.vector_load %arg9[%get3A_230, %get3A_231] {strides = array<i32>} : memref<128x256xf32, #tpu.memory_space<vmem>>, vector<1x16xf32>,
      %get3A_233 = vector.shape_cast %get3A_232 : vector<1x16xf32> to vector<16xf32>
      %sub3A_234 = arith.subf %get3A_229, %get3A_233 : vector<16xf32>
      %mul3A_235 = arith.mulf %sub3A_234, %sub3A_234 : vector<16xf32>
      %add3A_236 = arith.addf %add3A_225, %mul3A_235 : vector<16xf32>
      scf.yield %add3A_236 : vector<16xf32>
    }
    %scan3A_29 = arith.constant 128 : i32
    %add3A_30 = arith.constant 128 : i32
    %add3A_31 = arith.addi %mul3A_2, %add3A_30 : i32
    "tpu.region"() ({
      %run_scoped3A = tpu.sem_alloc : memref<!tpu.dma_semaphore, #tpu.memory_space<semaphore_mem>>
      %dma_start3A_61 = arith.constant 0 : i32
      %dma_start3A_62 = tpu.memref_slice %arg3[%add3A_31, %dma_start3A_61] : memref<8192x256xf32, #tpu.memory_space<hbm>> -> memref<128x256xf32, #tpu.memory_space<hbm>>
      %dma_start3A_63 = arith.constant 0 : i32
      %dma_start3A_64 = tpu.memref_slice %arg3[%add3A_31, %dma_start3A_63] : memref<8192x256xf32, #tpu.memory_space<hbm>> -> memref<128x256xf32, #tpu.memory_space<hbm>>
      tpu.enqueue_dma source(%dma_start3A_64 : memref<128x256xf32, #tpu.memory_space<hbm>>) target(%arg11 : memref<128x256xf32, #tpu.memory_space<vmem>>) target_semaphore(%run_scoped3A : memref<!tpu.dma_semaphore, #tpu.memory_space<semaphore_mem>>)
      %dma_wait3A_65 = arith.constant 0 : i32
      %dma_wait3A_66 = tpu.memref_slice %arg3[%add3A_31, %dma_wait3A_65] : memref<8192x256xf32, #tpu.memory_space<hbm>> -> memref<128x256xf32, #tpu.memory_space<hbm>>
      %dma_wait3A_67 = arith.constant 0 : i32
      %dma_wait3A_68 = tpu.memref_slice %arg3[%add3A_31, %dma_wait3A_67] : memref<8192x256xf32, #tpu.memory_space<hbm>> -> memref<128x256xf32, #tpu.memory_space<hbm>>
      tpu.wait_dma2 semaphore(%run_scoped3A : memref<!tpu.dma_semaphore, #tpu.memory_space<semaphore_mem>>) src(%dma_wait3A_68 : memref<128x256xf32, #tpu.memory_space<hbm>>) dst(%arg11 : memref<128x256xf32, #tpu.memory_space<vmem>>)
      tpu.yield
    }) : () -> ()
    %dma_wait3A_32 = arith.constant 0 : i32
    %dma_wait3A_33 = arith.constant 0 : i32
    %dma_wait3A_34 = tpu.memref_slice %arg2[%dma_wait3A_32, %dma_wait3A_33] : memref<8192x256xf32, #tpu.memory_space<hbm>> -> memref<8192x256xf32, #tpu.memory_space<hbm>>
    tpu.wait_indirect_dma semaphore(%arg14 : memref<!tpu.dma_semaphore, #tpu.memory_space<semaphore_mem>>) src(%dma_wait3A_34 : memref<8192x256xf32, #tpu.memory_space<hbm>>) dst(%arg10 : memref<128x256xf32, #tpu.memory_space<vmem>>)
    %add3A_35 = arith.constant 128 : i32
    %add3A_36 = arith.addi %mul3A_2, %add3A_35 : i32
    %dma_start3A_37 = arith.constant 0 : i32
    %dma_start3A_38 = tpu.memref_slice %arg5[%add3A_36, %dma_start3A_37] : memref<8192x256xf32, #tpu.memory_space<hbm>> -> memref<128x256xf32, #tpu.memory_space<hbm>>
    %dma_start3A_39 = arith.constant 0 : i32
    %dma_start3A_40 = tpu.memref_slice %arg5[%add3A_36, %dma_start3A_39] : memref<8192x256xf32, #tpu.memory_space<hbm>> -> memref<128x256xf32, #tpu.memory_space<hbm>>
    tpu.enqueue_dma source(%arg10 : memref<128x256xf32, #tpu.memory_space<vmem>>) target(%dma_start3A_40 : memref<128x256xf32, #tpu.memory_space<hbm>>) target_semaphore(%arg16 : memref<!tpu.dma_semaphore, #tpu.memory_space<semaphore_mem>>)
    %scan3A_41 = arith.constant 0 : i32
    %scan3A_42 = arith.constant 128 : i32
    %scan3A_43 = arith.addi %scan3A_41, %scan3A_42 : i32
    %scan3A_44 = arith.constant 1 : i32
    %scan3A_45 = scf.for %scan3A_61 = %scan3A_41 to %scan3A_43 step %scan3A_44 iter_args(%scan3A_62 = %scan3A_28) -> (vector<16xf32>)  : i32 {
      %get3A = arith.index_cast %scan3A_61 : i32 to index
      %get3A_63 = arith.constant 0 : index
      %get3A_64 = tpu.vector_load %arg11[%get3A, %get3A_63] {strides = array<i32>} : memref<128x256xf32, #tpu.memory_space<vmem>>, vector<1x16xf32>,
      %get3A_65 = vector.shape_cast %get3A_64 : vector<1x16xf32> to vector<16xf32>
      %get3A_66 = arith.index_cast %scan3A_61 : i32 to index
      %get3A_67 = arith.constant 0 : index
      %get3A_68 = tpu.vector_load %arg10[%get3A_66, %get3A_67] {strides = array<i32>} : memref<128x256xf32, #tpu.memory_space<vmem>>, vector<1x16xf32>,
      %get3A_69 = vector.shape_cast %get3A_68 : vector<1x16xf32> to vector<16xf32>
      %sub3A = arith.subf %get3A_65, %get3A_69 : vector<16xf32>
      %mul3A_70 = arith.mulf %sub3A, %sub3A : vector<16xf32>
      %add3A_71 = arith.addf %scan3A_62, %mul3A_70 : vector<16xf32>
      %get3A_72 = arith.index_cast %scan3A_61 : i32 to index
      %get3A_73 = arith.constant 16 : index
      %get3A_74 = tpu.vector_load %arg11[%get3A_72, %get3A_73] {strides = array<i32>} : memref<128x256xf32, #tpu.memory_space<vmem>>, vector<1x16xf32>,
      %get3A_75 = vector.shape_cast %get3A_74 : vector<1x16xf32> to vector<16xf32>
      %get3A_76 = arith.index_cast %scan3A_61 : i32 to index
      %get3A_77 = arith.constant 16 : index
      %get3A_78 = tpu.vector_load %arg10[%get3A_76, %get3A_77] {strides = array<i32>} : memref<128x256xf32, #tpu.memory_space<vmem>>, vector<1x16xf32>,
      %get3A_79 = vector.shape_cast %get3A_78 : vector<1x16xf32> to vector<16xf32>
      %sub3A_80 = arith.subf %get3A_75, %get3A_79 : vector<16xf32>
      %mul3A_81 = arith.mulf %sub3A_80, %sub3A_80 : vector<16xf32>
      %add3A_82 = arith.addf %add3A_71, %mul3A_81 : vector<16xf32>
      %get3A_83 = arith.index_cast %scan3A_61 : i32 to index
      %get3A_84 = arith.constant 32 : index
      %get3A_85 = tpu.vector_load %arg11[%get3A_83, %get3A_84] {strides = array<i32>} : memref<128x256xf32, #tpu.memory_space<vmem>>, vector<1x16xf32>,
      %get3A_86 = vector.shape_cast %get3A_85 : vector<1x16xf32> to vector<16xf32>
      %get3A_87 = arith.index_cast %scan3A_61 : i32 to index
      %get3A_88 = arith.constant 32 : index
      %get3A_89 = tpu.vector_load %arg10[%get3A_87, %get3A_88] {strides = array<i32>} : memref<128x256xf32, #tpu.memory_space<vmem>>, vector<1x16xf32>,
      %get3A_90 = vector.shape_cast %get3A_89 : vector<1x16xf32> to vector<16xf32>
      %sub3A_91 = arith.subf %get3A_86, %get3A_90 : vector<16xf32>
      %mul3A_92 = arith.mulf %sub3A_91, %sub3A_91 : vector<16xf32>
      %add3A_93 = arith.addf %add3A_82, %mul3A_92 : vector<16xf32>
      %get3A_94 = arith.index_cast %scan3A_61 : i32 to index
      %get3A_95 = arith.constant 48 : index
      %get3A_96 = tpu.vector_load %arg11[%get3A_94, %get3A_95] {strides = array<i32>} : memref<128x256xf32, #tpu.memory_space<vmem>>, vector<1x16xf32>,
      %get3A_97 = vector.shape_cast %get3A_96 : vector<1x16xf32> to vector<16xf32>
      %get3A_98 = arith.index_cast %scan3A_61 : i32 to index
      %get3A_99 = arith.constant 48 : index
      %get3A_100 = tpu.vector_load %arg10[%get3A_98, %get3A_99] {strides = array<i32>} : memref<128x256xf32, #tpu.memory_space<vmem>>, vector<1x16xf32>,
      %get3A_101 = vector.shape_cast %get3A_100 : vector<1x16xf32> to vector<16xf32>
      %sub3A_102 = arith.subf %get3A_97, %get3A_101 : vector<16xf32>
      %mul3A_103 = arith.mulf %sub3A_102, %sub3A_102 : vector<16xf32>
      %add3A_104 = arith.addf %add3A_93, %mul3A_103 : vector<16xf32>
      %get3A_105 = arith.index_cast %scan3A_61 : i32 to index
      %get3A_106 = arith.constant 64 : index
      %get3A_107 = tpu.vector_load %arg11[%get3A_105, %get3A_106] {strides = array<i32>} : memref<128x256xf32, #tpu.memory_space<vmem>>, vector<1x16xf32>,
      %get3A_108 = vector.shape_cast %get3A_107 : vector<1x16xf32> to vector<16xf32>
      %get3A_109 = arith.index_cast %scan3A_61 : i32 to index
      %get3A_110 = arith.constant 64 : index
      %get3A_111 = tpu.vector_load %arg10[%get3A_109, %get3A_110] {strides = array<i32>} : memref<128x256xf32, #tpu.memory_space<vmem>>, vector<1x16xf32>,
      %get3A_112 = vector.shape_cast %get3A_111 : vector<1x16xf32> to vector<16xf32>
      %sub3A_113 = arith.subf %get3A_108, %get3A_112 : vector<16xf32>
      %mul3A_114 = arith.mulf %sub3A_113, %sub3A_113 : vector<16xf32>
      %add3A_115 = arith.addf %add3A_104, %mul3A_114 : vector<16xf32>
      %get3A_116 = arith.index_cast %scan3A_61 : i32 to index
      %get3A_117 = arith.constant 80 : index
      %get3A_118 = tpu.vector_load %arg11[%get3A_116, %get3A_117] {strides = array<i32>} : memref<128x256xf32, #tpu.memory_space<vmem>>, vector<1x16xf32>,
      %get3A_119 = vector.shape_cast %get3A_118 : vector<1x16xf32> to vector<16xf32>
      %get3A_120 = arith.index_cast %scan3A_61 : i32 to index
      %get3A_121 = arith.constant 80 : index
      %get3A_122 = tpu.vector_load %arg10[%get3A_120, %get3A_121] {strides = array<i32>} : memref<128x256xf32, #tpu.memory_space<vmem>>, vector<1x16xf32>,
      %get3A_123 = vector.shape_cast %get3A_122 : vector<1x16xf32> to vector<16xf32>
      %sub3A_124 = arith.subf %get3A_119, %get3A_123 : vector<16xf32>
      %mul3A_125 = arith.mulf %sub3A_124, %sub3A_124 : vector<16xf32>
      %add3A_126 = arith.addf %add3A_115, %mul3A_125 : vector<16xf32>
      %get3A_127 = arith.index_cast %scan3A_61 : i32 to index
      %get3A_128 = arith.constant 96 : index
      %get3A_129 = tpu.vector_load %arg11[%get3A_127, %get3A_128] {strides = array<i32>} : memref<128x256xf32, #tpu.memory_space<vmem>>, vector<1x16xf32>,
      %get3A_130 = vector.shape_cast %get3A_129 : vector<1x16xf32> to vector<16xf32>
      %get3A_131 = arith.index_cast %scan3A_61 : i32 to index
      %get3A_132 = arith.constant 96 : index
      %get3A_133 = tpu.vector_load %arg10[%get3A_131, %get3A_132] {strides = array<i32>} : memref<128x256xf32, #tpu.memory_space<vmem>>, vector<1x16xf32>,
      %get3A_134 = vector.shape_cast %get3A_133 : vector<1x16xf32> to vector<16xf32>
      %sub3A_135 = arith.subf %get3A_130, %get3A_134 : vector<16xf32>
      %mul3A_136 = arith.mulf %sub3A_135, %sub3A_135 : vector<16xf32>
      %add3A_137 = arith.addf %add3A_126, %mul3A_136 : vector<16xf32>
      %get3A_138 = arith.index_cast %scan3A_61 : i32 to index
      %get3A_139 = arith.constant 112 : index
      %get3A_140 = tpu.vector_load %arg11[%get3A_138, %get3A_139] {strides = array<i32>} : memref<128x256xf32, #tpu.memory_space<vmem>>, vector<1x16xf32>,
      %get3A_141 = vector.shape_cast %get3A_140 : vector<1x16xf32> to vector<16xf32>
      %get3A_142 = arith.index_cast %scan3A_61 : i32 to index
      %get3A_143 = arith.constant 112 : index
      %get3A_144 = tpu.vector_load %arg10[%get3A_142, %get3A_143] {strides = array<i32>} : memref<128x256xf32, #tpu.memory_space<vmem>>, vector<1x16xf32>,
      %get3A_145 = vector.shape_cast %get3A_144 : vector<1x16xf32> to vector<16xf32>
      %sub3A_146 = arith.subf %get3A_141, %get3A_145 : vector<16xf32>
      %mul3A_147 = arith.mulf %sub3A_146, %sub3A_146 : vector<16xf32>
      %add3A_148 = arith.addf %add3A_137, %mul3A_147 : vector<16xf32>
      %get3A_149 = arith.index_cast %scan3A_61 : i32 to index
      %get3A_150 = arith.constant 128 : index
      %get3A_151 = tpu.vector_load %arg11[%get3A_149, %get3A_150] {strides = array<i32>} : memref<128x256xf32, #tpu.memory_space<vmem>>, vector<1x16xf32>,
      %get3A_152 = vector.shape_cast %get3A_151 : vector<1x16xf32> to vector<16xf32>
      %get3A_153 = arith.index_cast %scan3A_61 : i32 to index
      %get3A_154 = arith.constant 128 : index
      %get3A_155 = tpu.vector_load %arg10[%get3A_153, %get3A_154] {strides = array<i32>} : memref<128x256xf32, #tpu.memory_space<vmem>>, vector<1x16xf32>,
      %get3A_156 = vector.shape_cast %get3A_155 : vector<1x16xf32> to vector<16xf32>
      %sub3A_157 = arith.subf %get3A_152, %get3A_156 : vector<16xf32>
      %mul3A_158 = arith.mulf %sub3A_157, %sub3A_157 : vector<16xf32>
      %add3A_159 = arith.addf %add3A_148, %mul3A_158 : vector<16xf32>
      %get3A_160 = arith.index_cast %scan3A_61 : i32 to index
      %get3A_161 = arith.constant 144 : index
      %get3A_162 = tpu.vector_load %arg11[%get3A_160, %get3A_161] {strides = array<i32>} : memref<128x256xf32, #tpu.memory_space<vmem>>, vector<1x16xf32>,
      %get3A_163 = vector.shape_cast %get3A_162 : vector<1x16xf32> to vector<16xf32>
      %get3A_164 = arith.index_cast %scan3A_61 : i32 to index
      %get3A_165 = arith.constant 144 : index
      %get3A_166 = tpu.vector_load %arg10[%get3A_164, %get3A_165] {strides = array<i32>} : memref<128x256xf32, #tpu.memory_space<vmem>>, vector<1x16xf32>,
      %get3A_167 = vector.shape_cast %get3A_166 : vector<1x16xf32> to vector<16xf32>
      %sub3A_168 = arith.subf %get3A_163, %get3A_167 : vector<16xf32>
      %mul3A_169 = arith.mulf %sub3A_168, %sub3A_168 : vector<16xf32>
      %add3A_170 = arith.addf %add3A_159, %mul3A_169 : vector<16xf32>
      %get3A_171 = arith.index_cast %scan3A_61 : i32 to index
      %get3A_172 = arith.constant 160 : index
      %get3A_173 = tpu.vector_load %arg11[%get3A_171, %get3A_172] {strides = array<i32>} : memref<128x256xf32, #tpu.memory_space<vmem>>, vector<1x16xf32>,
      %get3A_174 = vector.shape_cast %get3A_173 : vector<1x16xf32> to vector<16xf32>
      %get3A_175 = arith.index_cast %scan3A_61 : i32 to index
      %get3A_176 = arith.constant 160 : index
      %get3A_177 = tpu.vector_load %arg10[%get3A_175, %get3A_176] {strides = array<i32>} : memref<128x256xf32, #tpu.memory_space<vmem>>, vector<1x16xf32>,
      %get3A_178 = vector.shape_cast %get3A_177 : vector<1x16xf32> to vector<16xf32>
      %sub3A_179 = arith.subf %get3A_174, %get3A_178 : vector<16xf32>
      %mul3A_180 = arith.mulf %sub3A_179, %sub3A_179 : vector<16xf32>
      %add3A_181 = arith.addf %add3A_170, %mul3A_180 : vector<16xf32>
      %get3A_182 = arith.index_cast %scan3A_61 : i32 to index
      %get3A_183 = arith.constant 176 : index
      %get3A_184 = tpu.vector_load %arg11[%get3A_182, %get3A_183] {strides = array<i32>} : memref<128x256xf32, #tpu.memory_space<vmem>>, vector<1x16xf32>,
      %get3A_185 = vector.shape_cast %get3A_184 : vector<1x16xf32> to vector<16xf32>
      %get3A_186 = arith.index_cast %scan3A_61 : i32 to index
      %get3A_187 = arith.constant 176 : index
      %get3A_188 = tpu.vector_load %arg10[%get3A_186, %get3A_187] {strides = array<i32>} : memref<128x256xf32, #tpu.memory_space<vmem>>, vector<1x16xf32>,
      %get3A_189 = vector.shape_cast %get3A_188 : vector<1x16xf32> to vector<16xf32>
      %sub3A_190 = arith.subf %get3A_185, %get3A_189 : vector<16xf32>
      %mul3A_191 = arith.mulf %sub3A_190, %sub3A_190 : vector<16xf32>
      %add3A_192 = arith.addf %add3A_181, %mul3A_191 : vector<16xf32>
      %get3A_193 = arith.index_cast %scan3A_61 : i32 to index
      %get3A_194 = arith.constant 192 : index
      %get3A_195 = tpu.vector_load %arg11[%get3A_193, %get3A_194] {strides = array<i32>} : memref<128x256xf32, #tpu.memory_space<vmem>>, vector<1x16xf32>,
      %get3A_196 = vector.shape_cast %get3A_195 : vector<1x16xf32> to vector<16xf32>
      %get3A_197 = arith.index_cast %scan3A_61 : i32 to index
      %get3A_198 = arith.constant 192 : index
      %get3A_199 = tpu.vector_load %arg10[%get3A_197, %get3A_198] {strides = array<i32>} : memref<128x256xf32, #tpu.memory_space<vmem>>, vector<1x16xf32>,
      %get3A_200 = vector.shape_cast %get3A_199 : vector<1x16xf32> to vector<16xf32>
      %sub3A_201 = arith.subf %get3A_196, %get3A_200 : vector<16xf32>
      %mul3A_202 = arith.mulf %sub3A_201, %sub3A_201 : vector<16xf32>
      %add3A_203 = arith.addf %add3A_192, %mul3A_202 : vector<16xf32>
      %get3A_204 = arith.index_cast %scan3A_61 : i32 to index
      %get3A_205 = arith.constant 208 : index
      %get3A_206 = tpu.vector_load %arg11[%get3A_204, %get3A_205] {strides = array<i32>} : memref<128x256xf32, #tpu.memory_space<vmem>>, vector<1x16xf32>,
      %get3A_207 = vector.shape_cast %get3A_206 : vector<1x16xf32> to vector<16xf32>
      %get3A_208 = arith.index_cast %scan3A_61 : i32 to index
      %get3A_209 = arith.constant 208 : index
      %get3A_210 = tpu.vector_load %arg10[%get3A_208, %get3A_209] {strides = array<i32>} : memref<128x256xf32, #tpu.memory_space<vmem>>, vector<1x16xf32>,
      %get3A_211 = vector.shape_cast %get3A_210 : vector<1x16xf32> to vector<16xf32>
      %sub3A_212 = arith.subf %get3A_207, %get3A_211 : vector<16xf32>
      %mul3A_213 = arith.mulf %sub3A_212, %sub3A_212 : vector<16xf32>
      %add3A_214 = arith.addf %add3A_203, %mul3A_213 : vector<16xf32>
      %get3A_215 = arith.index_cast %scan3A_61 : i32 to index
      %get3A_216 = arith.constant 224 : index
      %get3A_217 = tpu.vector_load %arg11[%get3A_215, %get3A_216] {strides = array<i32>} : memref<128x256xf32, #tpu.memory_space<vmem>>, vector<1x16xf32>,
      %get3A_218 = vector.shape_cast %get3A_217 : vector<1x16xf32> to vector<16xf32>
      %get3A_219 = arith.index_cast %scan3A_61 : i32 to index
      %get3A_220 = arith.constant 224 : index
      %get3A_221 = tpu.vector_load %arg10[%get3A_219, %get3A_220] {strides = array<i32>} : memref<128x256xf32, #tpu.memory_space<vmem>>, vector<1x16xf32>,
      %get3A_222 = vector.shape_cast %get3A_221 : vector<1x16xf32> to vector<16xf32>
      %sub3A_223 = arith.subf %get3A_218, %get3A_222 : vector<16xf32>
      %mul3A_224 = arith.mulf %sub3A_223, %sub3A_223 : vector<16xf32>
      %add3A_225 = arith.addf %add3A_214, %mul3A_224 : vector<16xf32>
      %get3A_226 = arith.index_cast %scan3A_61 : i32 to index
      %get3A_227 = arith.constant 240 : index
      %get3A_228 = tpu.vector_load %arg11[%get3A_226, %get3A_227] {strides = array<i32>} : memref<128x256xf32, #tpu.memory_space<vmem>>, vector<1x16xf32>,
      %get3A_229 = vector.shape_cast %get3A_228 : vector<1x16xf32> to vector<16xf32>
      %get3A_230 = arith.index_cast %scan3A_61 : i32 to index
      %get3A_231 = arith.constant 240 : index
      %get3A_232 = tpu.vector_load %arg10[%get3A_230, %get3A_231] {strides = array<i32>} : memref<128x256xf32, #tpu.memory_space<vmem>>, vector<1x16xf32>,
      %get3A_233 = vector.shape_cast %get3A_232 : vector<1x16xf32> to vector<16xf32>
      %sub3A_234 = arith.subf %get3A_229, %get3A_233 : vector<16xf32>
      %mul3A_235 = arith.mulf %sub3A_234, %sub3A_234 : vector<16xf32>
      %add3A_236 = arith.addf %add3A_225, %mul3A_235 : vector<16xf32>
      scf.yield %add3A_236 : vector<16xf32>
    }
    %scan3A_46 = arith.constant 128 : i32
    %mul3A_47 = arith.constant 1.52587891E-4 : f32
    %mul3A_48 = vector.broadcast %mul3A_47 : f32 to vector<16xf32>
    %mul3A_49 = arith.mulf %scan3A_45, %mul3A_48 : vector<16xf32>
    %swap3A = arith.constant 0 : index
    %swap3A_50 = tpu.vector_load %arg12[%swap3A] {strides = array<i32>} : memref<16xf32, #tpu.memory_space<vmem>>, vector<16xf32>,
    %swap3A_51 = vector.shape_cast %swap3A_50 : vector<16xf32> to vector<16xf32>
    %swap3A_52 = vector.shape_cast %mul3A_49 : vector<16xf32> to vector<16xf32>
    tpu.vector_store %arg12[%swap3A], %swap3A_52 {strides = array<i32>} : memref<16xf32, #tpu.memory_space<vmem>>, vector<16xf32>,
    %dma_wait3A_53 = arith.constant 0 : i32
    %dma_wait3A_54 = tpu.memref_slice %arg5[%mul3A_2, %dma_wait3A_53] : memref<8192x256xf32, #tpu.memory_space<hbm>> -> memref<128x256xf32, #tpu.memory_space<hbm>>
    %dma_wait3A_55 = arith.constant 0 : i32
    %dma_wait3A_56 = tpu.memref_slice %arg5[%mul3A_2, %dma_wait3A_55] : memref<8192x256xf32, #tpu.memory_space<hbm>> -> memref<128x256xf32, #tpu.memory_space<hbm>>
    tpu.wait_dma2 semaphore(%arg16 : memref<!tpu.dma_semaphore, #tpu.memory_space<semaphore_mem>>) src(%arg9 : memref<128x256xf32, #tpu.memory_space<vmem>>) dst(%dma_wait3A_56 : memref<128x256xf32, #tpu.memory_space<hbm>>)
    %dma_wait3A_57 = arith.constant 0 : i32
    %dma_wait3A_58 = tpu.memref_slice %arg5[%add3A_36, %dma_wait3A_57] : memref<8192x256xf32, #tpu.memory_space<hbm>> -> memref<128x256xf32, #tpu.memory_space<hbm>>
    %dma_wait3A_59 = arith.constant 0 : i32
    %dma_wait3A_60 = tpu.memref_slice %arg5[%add3A_36, %dma_wait3A_59] : memref<8192x256xf32, #tpu.memory_space<hbm>> -> memref<128x256xf32, #tpu.memory_space<hbm>>
    tpu.wait_dma2 semaphore(%arg16 : memref<!tpu.dma_semaphore, #tpu.memory_space<semaphore_mem>>) src(%arg10 : memref<128x256xf32, #tpu.memory_space<vmem>>) dst(%dma_wait3A_60 : memref<128x256xf32, #tpu.memory_space<hbm>>)
    "tpu.region"() ({
      %run_scoped3A = tpu.sem_alloc : memref<!tpu.dma_semaphore, #tpu.memory_space<semaphore_mem>>
      %dma_start3A_61 = arith.constant 0 : i32
      %dma_start3A_62 = tpu.memref_slice %arg6[%add3A, %dma_start3A_61] : memref<32x16xf32, #tpu.memory_space<hbm>> -> memref<1x16xf32, #tpu.memory_space<hbm>>
      %dma_start3A_63 = tpu.memref_squeeze %dma_start3A_62 : memref<1x16xf32, #tpu.memory_space<hbm>> -> memref<16xf32, #tpu.memory_space<hbm>>
      %dma_start3A_64 = arith.constant 0 : i32
      %dma_start3A_65 = tpu.memref_slice %arg6[%add3A, %dma_start3A_64] : memref<32x16xf32, #tpu.memory_space<hbm>> -> memref<1x16xf32, #tpu.memory_space<hbm>>
      %dma_start3A_66 = tpu.memref_squeeze %dma_start3A_65 : memref<1x16xf32, #tpu.memory_space<hbm>> -> memref<16xf32, #tpu.memory_space<hbm>>
      tpu.enqueue_dma source(%arg12 : memref<16xf32, #tpu.memory_space<vmem>>) target(%dma_start3A_66 : memref<16xf32, #tpu.memory_space<hbm>>) target_semaphore(%run_scoped3A : memref<!tpu.dma_semaphore, #tpu.memory_space<semaphore_mem>>)
      %dma_wait3A_67 = arith.constant 0 : i32
      %dma_wait3A_68 = tpu.memref_slice %arg6[%add3A, %dma_wait3A_67] : memref<32x16xf32, #tpu.memory_space<hbm>> -> memref<1x16xf32, #tpu.memory_space<hbm>>
      %dma_wait3A_69 = tpu.memref_squeeze %dma_wait3A_68 : memref<1x16xf32, #tpu.memory_space<hbm>> -> memref<16xf32, #tpu.memory_space<hbm>>
      %dma_wait3A_70 = arith.constant 0 : i32
      %dma_wait3A_71 = tpu.memref_slice %arg6[%add3A, %dma_wait3A_70] : memref<32x16xf32, #tpu.memory_space<hbm>> -> memref<1x16xf32, #tpu.memory_space<hbm>>
      %dma_wait3A_72 = tpu.memref_squeeze %dma_wait3A_71 : memref<1x16xf32, #tpu.memory_space<hbm>> -> memref<16xf32, #tpu.memory_space<hbm>>
      tpu.wait_dma2 semaphore(%run_scoped3A : memref<!tpu.dma_semaphore, #tpu.memory_space<semaphore_mem>>) src(%arg12 : memref<16xf32, #tpu.memory_space<vmem>>) dst(%dma_wait3A_72 : memref<16xf32, #tpu.memory_space<hbm>>)
      tpu.yield
    }) : () -> ()
    return
  }
}

module attributes {stable_mosaic.version = 14 : i64} {
  func.func @_dist_argmin_body(%arg0: i32, %arg1: memref<1024x256xf32, #tpu.memory_space<vmem>>, %arg2: memref<8192x256xf32, #tpu.memory_space<vmem>>, %arg3: memref<1024xi32, #tpu.memory_space<vmem>>, %arg4: memref<1024x256xf32, #tpu.memory_space<vmem>>, %arg5: memref<8192x1xf32, #tpu.memory_space<vmem>>) attributes {dimension_semantics = [#tpu.dimension_semantics<arbitrary>], iteration_bounds = array<i64: 8>, scalar_prefetch = 0 : i64, scratch_operands = 2 : i64, tpu.core_type = #tpu.core_type<tc>, window_params = [{transform_indices = @transform_0, window_bounds = array<i64: 1024, 256>}, {pipeline_mode = #tpu.pipeline_mode<synchronous>, transform_indices = @transform_1, window_bounds = array<i64: 8192, 256>}, {transform_indices = @transform_2, window_bounds = array<i64: 1024>}]} {
    %get3A = arith.constant 0 : index
    %get3A_0 = arith.constant 0 : index
    %get3A_1 = vector.load %arg1[%get3A, %get3A_0] : memref<1024x256xf32, #tpu.memory_space<vmem>>, vector<1024x256xf32>
    %mul3A = arith.constant -2.000000e+00 : f32
    %mul3A_2 = vector.broadcast %mul3A : f32 to vector<1024x256xf32>
    %mul3A_3 = arith.mulf %get3A_1, %mul3A_2 : vector<1024x256xf32>
    %swap3A = arith.constant 0 : index
    %swap3A_4 = arith.constant 0 : index
    %swap3A_5 = vector.load %arg4[%swap3A, %swap3A_4] : memref<1024x256xf32, #tpu.memory_space<vmem>>, vector<1024x256xf32>
    tpu.vector_store %arg4[%swap3A, %swap3A_4], %mul3A_3 {strides = array<i32>} : memref<1024x256xf32, #tpu.memory_space<vmem>>, vector<1024x256xf32>,
    %get3A_6 = arith.constant 0 : index
    %get3A_7 = arith.constant 0 : index
    %get3A_8 = vector.load %arg2[%get3A_6, %get3A_7] : memref<8192x256xf32, #tpu.memory_space<vmem>>, vector<8192x256xf32>
    %eq3A = arith.constant 0 : i32
    %eq3A_9 = arith.cmpi eq, %arg0, %eq3A : i32
    %convert_element_type3A = arith.extui %eq3A_9 : i1 to i32
    %cond3A = arith.constant 0 : i32
    %cond3A_10 = arith.cmpi ne, %convert_element_type3A, %cond3A : i32
    scf.if %cond3A_10 {
      %mul3A_21 = arith.mulf %get3A_8, %get3A_8 : vector<8192x256xf32>
      %reduce_sum3A = arith.constant dense<0.000000e+00> : vector<8192xf32>
      %reduce_sum3A_22 = vector.multi_reduction <add>, %mul3A_21, %reduce_sum3A [1] : vector<8192x256xf32> to vector<8192xf32>
      %broadcast_in_dim3A = vector.shape_cast %reduce_sum3A_22 : vector<8192xf32> to vector<8192x1xf32>
      %swap3A_23 = arith.constant 0 : index
      %swap3A_24 = arith.constant 0 : index
      %swap3A_25 = vector.load %arg5[%swap3A_23, %swap3A_24] : memref<8192x1xf32, #tpu.memory_space<vmem>>, vector<8192x1xf32>
      tpu.vector_store %arg5[%swap3A_23, %swap3A_24], %broadcast_in_dim3A {strides = array<i32>} : memref<8192x1xf32, #tpu.memory_space<vmem>>, vector<8192x1xf32>,
    } else {
    }
    %get3A_11 = arith.constant 0 : index
    %get3A_12 = arith.constant 0 : index
    %get3A_13 = vector.load %arg4[%get3A_11, %get3A_12] : memref<1024x256xf32, #tpu.memory_space<vmem>>, vector<1024x256xf32>
    %dot_general3A = arith.constant dense<0.000000e+00> : vector<8192x1024xf32>
    %dot_general3A_14 = tpu.matmul %get3A_8, %get3A_13, %dot_general3A {dimension_numbers = #tpu.dot_dimension_numbers<[1], [1], [0], [0], [0, 0, 1, 0], [], []>, transpose_lhs_hint = false} : vector<8192x256xf32>, vector<1024x256xf32>, vector<8192x1024xf32> -> vector<8192x1024xf32>
    %get3A_15 = arith.constant 0 : index
    %get3A_16 = arith.constant 0 : index
    %get3A_17 = vector.load %arg5[%get3A_15, %get3A_16] : memref<8192x1xf32, #tpu.memory_space<vmem>>, vector<8192x1xf32>
    %add3A = vector.broadcast %get3A_17 : vector<8192x1xf32> to vector<8192x1024xf32>
    %add3A_18 = arith.addf %dot_general3A_14, %add3A : vector<8192x1024xf32>
    %argmin3A = tpu.reduce_index %add3A_18 {axis = 0 : i32, kind = #tpu.reduction_kind<arg_min>} : vector<8192x1024xf32> -> vector<1024xi32>
    %swap3A_19 = arith.constant 0 : index
    %swap3A_20 = vector.load %arg3[%swap3A_19] : memref<1024xi32, #tpu.memory_space<vmem>>, vector<1024xi32>
    tpu.vector_store %arg3[%swap3A_19], %argmin3A {strides = array<i32>} : memref<1024xi32, #tpu.memory_space<vmem>>, vector<1024xi32>,
    return
  }
  func.func @transform_0(%arg0: i32) -> (i32, i32) {
    %c0_i32 = arith.constant 0 : i32
    %c0_i32_0 = arith.constant 0 : i32
    return %arg0, %c0_i32 : i32, i32
  }
  func.func @transform_1(%arg0: i32) -> (i32, i32) {
    %c0_i32 = arith.constant 0 : i32
    %c0_i32_0 = arith.constant 0 : i32
    %c0_i32_1 = arith.constant 0 : i32
    return %c0_i32, %c0_i32_0 : i32, i32
  }
  func.func @transform_2(%arg0: i32) -> i32 {
    %c0_i32 = arith.constant 0 : i32
    return %arg0 : i32
  }
}

</mosaic_0001>

<sc_bundles>
// kernel: kernel.4.cloned.1.call-start
scs
__scs_entry_jumppad:
0x0: {  	(pc) =	sbr.rel $0x88, $3  }
0x1: {  	(tag) =	ssettag $0x0;
	lr =	simm.s32 $0x1  }
0x2: {  	[smem:$0x3F9F] =	sst lr;
	_ =	strace $0xD0000000  }
0x3: {  	_ = 	snop  }
0x4: {  	_ = 	snop  }
0x5: {  	_ = 	snop  }
0x6: {  	_ = 	snop  }
0x7: {  	_ = 	snop  }
__scs_overlays_trampoline_lowered:
0x8: {  	[smem:$0x3FAE] =	sst s0  }
0x9: {  	[smem:$0x3FAF] =	sst s1  }
0xa: {  	[smem:$0x3FB0] =	sst s2  }
0xb: {  	[smem:$0x3FB1] =	sst s3  }
0xc: {  	[smem:$0x3FB2] =	sst s4  }
0xd: {  	[smem:$0x3FB3] =	sst s5  }
0xe: {  	[smem:$0x3FB4] =	sst s6  }
0xf: {  	[smem:$0x3FB5] =	sst s7  }
0x10: {  	[smem:$0x3FB6] =	sst s8  }
0x11: {  	[smem:$0x3FB7] =	sst s9;
	s0 =	simm.s32 @!p0 $0x0  }
0x12: {  	s1 =	sld [smem:$0x3F9D];
	s0 =	simm.s32 @p0 $0x1  }
0x13: {  	[smem:$0x3FB8] =	sst s0;
	s0 =	simm.s32 @!p1 $0x0  }
0x14: {  	s2 =	sld [smem:$0x3F9C];
	s0 =	simm.s32 @p1 $0x1  }
0x15: {  	[smem:$0x3FB9] =	sst s0;
	s0 =	simm.s32 @!p2 $0x0  }
0x16: {  	s3 =	sld [smem:$0x3FDB];
	s0 =	simm.s32 @p2 $0x1  }
0x17: {  	s4 =	simm.s32 $0x1BF5;
	[smem:$0x3FBB] =	sst s0  }
0x18: {  	s0 =	sld [smem:$0x3F9E];
	_ =	swait.ge [sflag:s4], $0x0  }
0x19: {  	s7 =	sld [smem:$0x3F9F]  }
0x1a: {  	s8 =	sadd.s32 $0xFFFFE003, lr  }
0x1b: {  	s9 =	sadd.s32 $0xFFFFFEF7, lr;
	s5 =	simm.s32 $0xFFFFFFFF;
	p2 =	slt.u32 s8, $0xFFFFF086  }
0x1c: {  	p1 =	slt.u32 s9, $0xF7A;
	s5 =	simm.s32 @!p2 $0x0  }
0x1d: {  	s5 =	simm.s32 @p1 $0x1;
	p0 =	seq.s32 s7, s2  }
0x1e: {  	s7 =	smul.u32 @!p0 $0xF7A, s2;
	p2 =	seq.s32 @!p0 s5, $0x0  }
0x1f: {  	s9 =	smul.u32 $0xF7A, s1;
	s8 =	simm.s32 @!p0 $0x1BF5;
	p2 =	por !p2, p0  }
0x20: {  	[sflag:s8] =	ssyncset.s32 @!p0 $0xFFFFF086;
	s6 =	sadd.s32 @!p0 s3, s7;
	s7 =	simm.s32 @!p0 $0x108  }
0x21: {  	s3 =	sadd.s32 s3, s9;
	s6 =	sadd.s32 @!p0 $0x88, s6;
	s7 =	simm.s32 @p2 $0x1082  }
0x22: {  	[simem:s7], [sflag:s8] =	dma.local @!p0 [hbm:s6], $0xF7A  }
0x23: {  	s9 =	sor.u32 $0xD0000000, s2;
	s6 =	simm.s32 $0x108;
	_ =	swait.ge @!p0 [sflag:s8], $0x0  }
0x24: {  	s3 =	sadd.s32 $0x88, s3;
	s6 =	simm.s32 @!p1 $0x1082;
	[sflag:s4] =	ssyncset.s32 $0xFFFFF086  }
0x25: {  	[simem:s6], [sflag:s4] =	dma.local [hbm:s3], $0xF7A  }
0x26: {  	[smem:$0x3F9F] =	sst s1;
	(tag) =	ssettag s2;
	_ =	strace s9  }
0x27: {  	s1 =	sld [smem:$0x3FAF]  }
0x28: {  	s2 =	sld [smem:$0x3FB0]  }
0x29: {  	s4 =	sld [smem:$0x3FB2]  }
0x2a: {  	p0 =	seq.s32 s5, $0x0;
	s5 =	sld [smem:$0x3FB3]  }
0x2b: {  	s6 =	sld [smem:$0x3FB4]  }
0x2c: {  	s7 =	sld [smem:$0x3FB5]  }
0x2d: {  	s3 =	simm.s32 $0x108;
	s8 =	sld [smem:$0x3FB6]  }
0x2e: {  	s3 =	simm.s32 @!p0 $0x1082;
	s9 =	sld [smem:$0x3FB7]  }
0x2f: {  	lr =	sadd.s32 s0, s3;
	s0 =	sld [smem:$0x3FAE]  }
0x30: {  	s3 =	sld [smem:$0x3FB1]  }
0x31: {  	[smem:$0x3FBA] =	sst s10  }
0x32: {  	s10 =	sld [smem:$0x3FB8];
	_ =	sdelay $0x3  }
0x33: {  	p0 =	seq.s32 s10, $0x1;
	s10 =	sld [smem:$0x3FBA];
	_ =	sdelay $0x3  }
0x34: {  	[smem:$0x3FBA] =	sst s10  }
0x35: {  	s10 =	sld [smem:$0x3FB9];
	_ =	sdelay $0x3  }
0x36: {  	p1 =	seq.s32 s10, $0x1;
	s10 =	sld [smem:$0x3FBA];
	_ =	sdelay $0x3  }
0x37: {  	[smem:$0x3FBA] =	sst s10  }
0x38: {  	s10 =	sld [smem:$0x3FBB]  }
0x39: {  	_ = 	snop;
	(pc) =	sbr.ind lr, $3  }
0x3a: {  	_ = 	snop  }
0x3b: {  	_ = 	snop  }
0x3c: {  	p2 =	seq.s32 s10, $0x1;
	s10 =	sld [smem:$0x3FBA]  }
0x3d: {  	_ =	shalt  }
0x3e: {  	_ =	shalt  }
0x3f: {  	_ =	shalt  }
0x40: {  	_ =	shalt  }
0x41: {  	_ =	shalt  }
0x42: {  	_ =	shalt  }
0x43: {  	_ =	shalt  }
0x44: {  	_ =	shalt  }
0x45: {  	_ =	shalt  }
0x46: {  	_ =	shalt  }
0x47: {  	_ =	shalt  }
0x48: {  	_ =	shalt  }
0x49: {  	_ =	shalt  }
0x4a: {  	_ =	shalt  }
0x4b: {  	_ =	shalt  }
0x4c: {  	_ =	shalt  }
0x4d: {  	_ =	shalt  }
0x4e: {  	_ =	shalt  }
0x4f: {  	_ =	shalt  }
0x50: {  	_ =	shalt  }
0x51: {  	_ =	shalt  }
0x52: {  	_ =	shalt  }
0x53: {  	_ =	shalt  }
0x54: {  	_ =	shalt  }
0x55: {  	_ =	shalt  }
0x56: {  	_ =	shalt  }
0x57: {  	_ =	shalt  }
0x58: {  	_ =	shalt  }
0x59: {  	_ =	shalt  }
0x5a: {  	_ =	shalt  }
0x5b: {  	_ =	shalt  }
0x5c: {  	_ =	shalt  }
0x5d: {  	_ =	shalt  }
0x5e: {  	_ =	shalt  }
0x5f: {  	_ =	shalt  }
0x60: {  	_ =	shalt  }
0x61: {  	_ =	shalt  }
0x62: {  	_ =	shalt  }
0x63: {  	_ =	shalt  }
0x64: {  	_ =	shalt  }
0x65: {  	_ =	shalt  }
0x66: {  	_ =	shalt  }
0x67: {  	_ =	shalt  }
0x68: {  	_ =	shalt  }
0x69: {  	_ =	shalt  }
0x6a: {  	_ =	shalt  }
0x6b: {  	_ =	shalt  }
0x6c: {  	_ =	shalt  }
0x6d: {  	_ =	shalt  }
0x6e: {  	_ =	shalt  }
0x6f: {  	_ =	shalt  }
0x70: {  	_ =	shalt  }
0x71: {  	_ =	shalt  }
0x72: {  	_ =	shalt  }
0x73: {  	_ =	shalt  }
0x74: {  	_ =	shalt  }
0x75: {  	_ =	shalt  }
0x76: {  	_ =	shalt  }
0x77: {  	_ =	shalt  }
0x78: {  	_ =	shalt  }
0x79: {  	_ =	shalt  }
0x7a: {  	_ =	shalt  }
0x7b: {  	_ =	shalt  }
0x7c: {  	_ =	shalt  }
0x7d: {  	_ =	shalt  }
0x7e: {  	_ =	shalt  }
0x7f: {  	_ =	shalt  }
0x80: {  	_ =	shalt  }
0x81: {  	_ =	shalt  }
0x82: {  	_ =	shalt  }
0x83: {  	_ =	shalt  }
0x84: {  	_ =	shalt  }
0x85: {  	_ =	shalt  }
0x86: {  	_ =	shalt  }
0x87: {  	_ =	shalt  }
.Lfunc_end0:
.L_simem_size_0:
called_computation_lowered:
.L_overlay_start_0:
0x88: {  	s2 =	sld [smem:$0x3FD9]  }
0x89: {  	s3 =	sld [smem:$0x3FFE];
	_ =	sdelay $0x1  }
0x8a: {  	s1 =	srdreg.scid  }
0x8b: {  	s0 =	sand.u32 $0x1, s1  }
0x8c: {  	s14 =	sshll.u32 s0, $0xA;
	s2 =	sadd.s32 s3, s2  }
0x8d: {  	s2 =	sadd.s32 s2, s14  }
0x8e: {  	[smem:$0x3FC6] =	sst s2  }
0x8f: {  	_ = 	snop  }
0x90: {  	s2 =	sld [smem:$0x3FD0];
	_ =	sdelay $0x1  }
0x91: {  	s15 =	sld [smem:$0x3FC9]  }
0x92: {  	s5 =	simm.s32 $0xA;
	s6 =	simm.s32 $0x10;
	s4 =	sld [smem:$0x3FC8]  }
0x93: {  	[smem:s6], [sflag:s5] =	dma.local [hbm:s2], $0x1  }
0x94: {  	_ =	swait.eq [sflag:s5], $0x1  }
0x95: {  	[sflag:s5] =	ssyncset.done $0x0  }
0x96: {  	s16 =	sld [smem:$0x10];
	[sflag:s5] =	ssyncadd.s32 $0xFFFFFFFF  }
0x97: {  	s17 =	sld [smem:$0x11];
	(tm) =	ssettm $0x1  }
0x98: {  	s18 =	sld [smem:$0x3FFB];
	_ =	sdelay $0x3  }
0x99: {  	_ =	strace s18  }
0x9a: {  	s6 =	sld [smem:$0x3FFC];
	_ =	sdelay $0x3  }
0x9b: {  	_ =	strace s6  }
0x9c: {  	s6 =	sld [smem:$0x3FFD];
	_ =	sdelay $0x3  }
0x9d: {  	_ =	strace s6  }
0x9e: {  	_ =	strace $0x8FFFFFFF  }
0x9f: {  	s19 =	sld [smem:$0x3FDB];
	_ =	sdelay $0x1  }
0xa0: {  	s7 =	simm.s32 $_scs_section_size  }
0xa1: {  	s8 =	simm.s32 $_size__tile_overlayer_lowered;
	s9 =	simm.s32 $_tile_overlayer_lowered  }
0xa2: {  	s22 =	simm.s32 $0x1BFF;
	s21 =	sshll.u32 s9, $0x1;
	s6 =	sadd.s32 s7, s19  }
0xa3: {  	s10 =	simm.s32 $0x0;
	s20 =	sshll.u32 s8, $0x1;
	s8 =	sadd.s32 s21, s6  }
0xa4: {  	[timem:s10], [sflag:s22] =	dma.local [hbm:s8], s20  }
0xa5: {  	_ =	swait.ge [sflag:s22], s20  }
0xa6: {  	s7 =	ssub.s32 $0x0, s20;
	[sflag:s22] =	ssyncset.done $0x0  }
0xa7: {  	[sflag:s22] =	ssyncadd.s32 s7;
	_ =	sdelay $0x1  }
0xa8: {  	s23 =	simm.s32 $0x1B8B  }
0xa9: {  	_ =	swait.ge [sflag:s23], $0x1  }
0xaa: {  	[sflag:s23] =	ssyncset.done $0x0  }
0xab: {  	s25 =	simm.s32 $0x1B8E;
	s24 =	sld [smem:$0x3FFE];
	[sflag:s23] =	ssyncadd.s32 $0xFFFFFFFF  }
0xac: {  	s26 =	simm.s32 $execute0_lowered;
	[smem:$0x3FD2] =	sst s25  }
0xad: {  	s8 =	sshll.u32 s26, $0x1;
	_ =	strace $0x80000046;
	[dreg:$0x1] =	wrdreg $0xFFFFFFFF  }
0xae: {  	s28 =	simm.s32 $_size_execute0_lowered;
	s6 =	sadd.s32 s6, s8;
	[dreg:$0x0] =	wrdreg $0x0  }
0xaf: {  	s8 =	sshll.u32 s28, $0x1;
	[dreg:$0x2] =	wrdreg s6  }
0xb0: {  	[dreg:$0x3] =	wrdreg s8  }
0xb1: {  	[dreg:$0x4] =	wrdreg $0xC0  }
0xb2: {  	_ =	task [dreg:s10], $0x5FFFF  }
0xb3: {  	[dreg:$0x1] =	wrdreg $0xFFFFFFFF  }
0xb4: {  	[dreg:$0x0] =	wrdreg $0x60  }
0xb5: {  	[dreg:$0x2] =	wrdreg s4  }
0xb6: {  	[dreg:$0x3] =	wrdreg s15  }
0xb7: {  	[dreg:$0x4] =	wrdreg s17  }
0xb8: {  	[dreg:$0x5] =	wrdreg s16  }
0xb9: {  	[dreg:$0x6] =	wrdreg s24  }
0xba: {  	[dreg:$0x7] =	wrdreg $0x9  }
0xbb: {  	_ =	task.clear_ibuf [dreg:s10], $0x8FFFF;
	_ =	strace $0x90000046  }
0xbc: {  	s29 =	simm.s32 $0x9;
	_ =	strace $0x80000048  }
0xbd: {  	_ =	swait.ge [sflag:s29], $0x1  }
0xbe: {  	[sflag:s29] =	ssyncadd.s32 $0xFFFFFFFF  }
0xbf: {  	_ =	strace $0x90000048  }
0xc0: {  	_ =	sfence  }
0xc1: {  	s30 =	sld [smem:$0x0];
	_ =	sdelay $0x2  }
0xc2: {  	s31 =	sshll.u32 s1, $0xD;
	s1 =	sshrl.u32 s1, $0x2  }
0xc3: {  	s3 =	sand.u32 $0x4000, s31;
	s1 =	sadd.s32 s1, s30  }
0xc4: {  	s0 =	sor.u32 s3, s0;
	s1 =	sshll.u32 s1, $0x11  }
0xc5: {  	s0 =	sor.u32 s1, s0  }
0xc6: {  	s0 =	sadd.s32 $0x8F2B, s0  }
0xc7: {  	[sflag:s0] =	ssyncadd.remote.s32 $0x1  }
0xc8: {  	_ =	sfence.sel $0xFFFF  }
0xc9: {  	[dreg:$0x0] =	wrdreg $0xFFFFFFFF;
	(pc) =	sbr.abs _section_cstart, $3  }
0xca: {  	[dreg:$0x1] =	wrdreg $0xFFFFFFFF  }
0xcb: {  	_ =	task.clear_ibuf [dreg:s10], $0x2FFFF;
	_ =	strace $0x9FFFFFFF  }
0xcc: {  	(tm) =	ssettm $0x7FFFFFFF  }
0xcd: {  	_ =	shalt  }
tec
execute0_lowered:
.L_overlay_start_1:
0x0: {  	(tag) =	ssettag $0x1  }
0x1: {  	s1 =	rddreg [dreg:$0x0]  }
0x2: {  	s0 =	rddreg [dreg:$0x1]  }
0x3: {  	s2 =	rddreg [dreg:$0x2]  }
0x4: {  	s9 =	rddreg [dreg:$0x3]  }
0x5: {  	s4 =	rddreg [dreg:$0x4];
	s3 =	simm.s32 $0x0  }
0x6: {  	s5 =	srdreg.scid;
	s6 =	stileid.u32;
	s12 =	simm.s32 $0x5  }
0x7: {  	s13 =	simm.s32 $0x100;
	s31 =	simm.s32 $0x8100;
	s21 =	simm.s32 $0xD100  }
0x8: {  	s28 =	simm.s32 $0x10100;
	s29 =	simm.s32 $0x1;
	s30 =	simm.s32 $0x3  }
0x9: {  	s14 =	simm.s32 $0x18100;
	s5 =	sand.u32 $0x1, s5;
	s6 =	sshll.u32 s6, $0x1  }
0xa: {  	s15 =	simm.s32 $0x0;
	[smem:$0x7FF] =	sst s3;
	s6 =	sor.u32 s5, s6  }
0xb: {  	_ =	strace $0x80000047;
	s5 =	ssub.s32 $0x2, s5;
	s7 =	sshll.u32 s6, $0x4  }
0xc: {  	s8 =	sshll.u32 s6, $0x8;
	s22 =	sshrl.u32 s5, $0x1;
	s23 =	sshll.u32 s6, $0x5  }
0xd: {  	s25 =	sshll.u32 s6, $0xD;
	s10 =	sadd.s32 s7, s4;
	s8 =	sor.u32 $0x80, s8  }
0xe: {  	s11 =	ssub.s32 s5, s22;
	s4 =	sadd.s32 s2, s23;
	s6 =	sadd.s32 s0, s25  }
0xf: {  	s7 =	sadd.s32 s9, s25;
	s22 =	simm.s32 $0xD900;
	s23 =	simm.s32 $0xE100  }
0x10: {  	s25 =	simm.s32 $0xF100;
	s24 =	sshrl.u32 s8, $0x3;
	s26 =	sshll.u32 s8, $0x5  }
0x11: {  	v2 =	vlaneseq.u32;
	s10 =	sadd.s32 $0x800, s10;
	s11 =	smax.u32 s11, $0x1;
	s5 =	sadd.s32 s2, s24  }
0x12: {  	vm0 =	vmmov $0xffff;
	v1 =	vshrl.u32 v2, $0x3;
	s8 =	sadd.s32 s0, s26;
	s9 =	sadd.s32 s9, s26;
	s24 =	simm.s32 $0xE900  }
0x13: {  	v0 =	vand.u32 $0x7, v2;
	v2 =	vor.u32 $0x8, v2;
	v1 =	vmul.u32 $0x8, v1;
	s26 =	simm.s32 $0xF900;
	s0 =	simm.s32 $0x2;
	s2 =	simm.s32 $0x4  }
.LBB2_1:
0x14: {  	[tilespmem:s3], [sflag:$0x5] =	stream.linear.gather [hbm4b:s4+s3], $0x80, $0x38;
	[tilespmem:$0x18180] =	vst v63  }
0x15: {  	_ =	swait.ge [sflag:s12], $0x80  }
0x16: {  	[sflag:s12] =	ssyncset.done $0x0  }
0x17: {  	[sflag:s12] =	ssyncadd.s32 $0xFFFFFF80  }
0x18: {  	v3 =	vld [tilespmem:$0x0];
	_ =	sdelay $0x4  }
0x19: {  	v4 =	vshll.u32 v3, $0x1  }
0x1a: {  	v3 =	vand.u32 $0x7, v3;
	v4 =	vand.u32 $0xFFFFFFF0, v4  }
0x1b: {  	v3 =	vor.u32 v3, v4  }
0x1c: {  	v4 =	vperm.xlane v3, v0;
	_ =	sdelay $0x1  }
0x1d: {  	v3 =	vperm.xlane v3, v2;
	v4 =	vadd.s32 v1, v4;
	_ =	sdelay $0x1  }
0x1e: {  	v3 =	vadd.s32 v1, v3;
	_ =	sdelay $0x2  }
0x1f: {  	[tilespmem:s13], [sflag:$0x1] =	stream.indirect_vreg.gather [hbm4b:s1+s3], $0x80, v4, vm0, $0xb8;
	[tilespmem:$0x18180] =	vst v63  }
0x20: {  	s16 =	simm.s32 $0x900  }
0x21: {  	[tilespmem:s16], [sflag:$0x1] =	stream.indirect_vreg.gather [hbm4b:s1+s3], $0x80, v3, vm0, $0xb8;
	[tilespmem:$0x18180] =	vst v63  }
0x22: {  	v3 =	vld [tilespmem:$0x10];
	_ =	sdelay $0x4  }
0x23: {  	v4 =	vshll.u32 v3, $0x1  }
0x24: {  	v3 =	vand.u32 $0x7, v3;
	v4 =	vand.u32 $0xFFFFFFF0, v4  }
0x25: {  	v3 =	vor.u32 v3, v4  }
0x26: {  	v4 =	vperm.xlane v3, v0;
	_ =	sdelay $0x1  }
0x27: {  	v3 =	vperm.xlane v3, v2;
	v4 =	vadd.s32 v1, v4;
	_ =	sdelay $0x1  }
0x28: {  	v3 =	vadd.s32 v1, v3;
	_ =	sdelay $0x1  }
0x29: {  	s19 =	simm.s32 $0x1100  }
0x2a: {  	[tilespmem:s19], [sflag:$0x1] =	stream.indirect_vreg.gather [hbm4b:s1+s3], $0x80, v4, vm0, $0xb8;
	[tilespmem:$0x18180] =	vst v63  }
0x2b: {  	s20 =	simm.s32 $0x1900  }
0x2c: {  	[tilespmem:s20], [sflag:$0x1] =	stream.indirect_vreg.gather [hbm4b:s1+s3], $0x80, v3, vm0, $0xb8;
	[tilespmem:$0x18180] =	vst v63  }
0x2d: {  	v3 =	vld [tilespmem:$0x20];
	_ =	sdelay $0x4  }
0x2e: {  	v4 =	vshll.u32 v3, $0x1  }
0x2f: {  	v3 =	vand.u32 $0x7, v3;
	v4 =	vand.u32 $0xFFFFFFF0, v4  }
0x30: {  	v3 =	vor.u32 v3, v4  }
0x31: {  	v4 =	vperm.xlane v3, v0;
	_ =	sdelay $0x1  }
0x32: {  	v3 =	vperm.xlane v3, v2;
	v4 =	vadd.s32 v1, v4;
	_ =	sdelay $0x1  }
0x33: {  	v3 =	vadd.s32 v1, v3;
	_ =	sdelay $0x1  }
0x34: {  	s17 =	simm.s32 $0x2100  }
0x35: {  	[tilespmem:s17], [sflag:$0x1] =	stream.indirect_vreg.gather [hbm4b:s1+s3], $0x80, v4, vm0, $0xb8;
	[tilespmem:$0x18180] =	vst v63  }
0x36: {  	s18 =	simm.s32 $0x2900  }
0x37: {  	[tilespmem:s18], [sflag:$0x1] =	stream.indirect_vreg.gather [hbm4b:s1+s3], $0x80, v3, vm0, $0xb8;
	[tilespmem:$0x18180] =	vst v63  }
0x38: {  	v3 =	vld [tilespmem:$0x30];
	_ =	sdelay $0x4  }
0x39: {  	v4 =	vshll.u32 v3, $0x1  }
0x3a: {  	v3 =	vand.u32 $0x7, v3;
	v4 =	vand.u32 $0xFFFFFFF0, v4  }
0x3b: {  	v3 =	vor.u32 v3, v4  }
0x3c: {  	v4 =	vperm.xlane v3, v0;
	_ =	sdelay $0x1  }
0x3d: {  	v3 =	vperm.xlane v3, v2;
	v4 =	vadd.s32 v1, v4;
	_ =	sdelay $0x1  }
0x3e: {  	v3 =	vadd.s32 v1, v3;
	_ =	sdelay $0x1  }
0x3f: {  	s19 =	simm.s32 $0x3100  }
0x40: {  	[tilespmem:s19], [sflag:$0x1] =	stream.indirect_vreg.gather [hbm4b:s1+s3], $0x80, v4, vm0, $0xb8;
	[tilespmem:$0x18180] =	vst v63  }
0x41: {  	s20 =	simm.s32 $0x3900  }
0x42: {  	[tilespmem:s20], [sflag:$0x1] =	stream.indirect_vreg.gather [hbm4b:s1+s3], $0x80, v3, vm0, $0xb8;
	[tilespmem:$0x18180] =	vst v63  }
0x43: {  	v3 =	vld [tilespmem:$0x40];
	_ =	sdelay $0x4  }
0x44: {  	v4 =	vshll.u32 v3, $0x1  }
0x45: {  	v3 =	vand.u32 $0x7, v3;
	v4 =	vand.u32 $0xFFFFFFF0, v4  }
0x46: {  	v3 =	vor.u32 v3, v4  }
0x47: {  	v4 =	vperm.xlane v3, v0;
	_ =	sdelay $0x1  }
0x48: {  	v3 =	vperm.xlane v3, v2;
	v4 =	vadd.s32 v1, v4;
	_ =	sdelay $0x1  }
0x49: {  	v3 =	vadd.s32 v1, v3;
	_ =	sdelay $0x1  }
0x4a: {  	s17 =	simm.s32 $0x4100  }
0x4b: {  	[tilespmem:s17], [sflag:$0x1] =	stream.indirect_vreg.gather [hbm4b:s1+s3], $0x80, v4, vm0, $0xb8;
	[tilespmem:$0x18180] =	vst v63  }
0x4c: {  	s18 =	simm.s32 $0x4900  }
0x4d: {  	[tilespmem:s18], [sflag:$0x1] =	stream.indirect_vreg.gather [hbm4b:s1+s3], $0x80, v3, vm0, $0xb8;
	[tilespmem:$0x18180] =	vst v63  }
0x4e: {  	v3 =	vld [tilespmem:$0x50];
	_ =	sdelay $0x4  }
0x4f: {  	v4 =	vshll.u32 v3, $0x1  }
0x50: {  	v3 =	vand.u32 $0x7, v3;
	v4 =	vand.u32 $0xFFFFFFF0, v4  }
0x51: {  	v3 =	vor.u32 v3, v4  }
0x52: {  	v4 =	vperm.xlane v3, v0;
	_ =	sdelay $0x1  }
0x53: {  	v3 =	vperm.xlane v3, v2;
	v4 =	vadd.s32 v1, v4;
	_ =	sdelay $0x1  }
0x54: {  	v3 =	vadd.s32 v1, v3;
	_ =	sdelay $0x1  }
0x55: {  	s19 =	simm.s32 $0x5100  }
0x56: {  	[tilespmem:s19], [sflag:$0x1] =	stream.indirect_vreg.gather [hbm4b:s1+s3], $0x80, v4, vm0, $0xb8;
	[tilespmem:$0x18180] =	vst v63  }
0x57: {  	s20 =	simm.s32 $0x5900  }
0x58: {  	[tilespmem:s20], [sflag:$0x1] =	stream.indirect_vreg.gather [hbm4b:s1+s3], $0x80, v3, vm0, $0xb8;
	[tilespmem:$0x18180] =	vst v63  }
0x59: {  	v3 =	vld [tilespmem:$0x60];
	_ =	sdelay $0x4  }
0x5a: {  	v4 =	vshll.u32 v3, $0x1  }
0x5b: {  	v3 =	vand.u32 $0x7, v3;
	v4 =	vand.u32 $0xFFFFFFF0, v4  }
0x5c: {  	v3 =	vor.u32 v3, v4  }
0x5d: {  	v4 =	vperm.xlane v3, v0;
	_ =	sdelay $0x1  }
0x5e: {  	v3 =	vperm.xlane v3, v2;
	v4 =	vadd.s32 v1, v4;
	_ =	sdelay $0x1  }
0x5f: {  	v3 =	vadd.s32 v1, v3;
	_ =	sdelay $0x1  }
0x60: {  	s17 =	simm.s32 $0x6100  }
0x61: {  	[tilespmem:s17], [sflag:$0x1] =	stream.indirect_vreg.gather [hbm4b:s1+s3], $0x80, v4, vm0, $0xb8;
	[tilespmem:$0x18180] =	vst v63  }
0x62: {  	s18 =	simm.s32 $0x6900  }
0x63: {  	[tilespmem:s18], [sflag:$0x1] =	stream.indirect_vreg.gather [hbm4b:s1+s3], $0x80, v3, vm0, $0xb8;
	[tilespmem:$0x18180] =	vst v63  }
0x64: {  	v3 =	vld [tilespmem:$0x70];
	_ =	sdelay $0x4  }
0x65: {  	v4 =	vshll.u32 v3, $0x1  }
0x66: {  	v3 =	vand.u32 $0x7, v3;
	v4 =	vand.u32 $0xFFFFFFF0, v4  }
0x67: {  	v3 =	vor.u32 v3, v4  }
0x68: {  	v4 =	vperm.xlane v3, v0;
	_ =	sdelay $0x1  }
0x69: {  	v3 =	vperm.xlane v3, v2;
	v4 =	vadd.s32 v1, v4;
	_ =	sdelay $0x1  }
0x6a: {  	v3 =	vadd.s32 v1, v3;
	_ =	sdelay $0x1  }
0x6b: {  	s19 =	simm.s32 $0x7100  }
0x6c: {  	[tilespmem:s19], [sflag:$0x1] =	stream.indirect_vreg.gather [hbm4b:s1+s3], $0x80, v4, vm0, $0xb8;
	[tilespmem:$0x18180] =	vst v63  }
0x6d: {  	s20 =	simm.s32 $0x7900  }
0x6e: {  	[tilespmem:s20], [sflag:$0x1] =	stream.indirect_vreg.gather [hbm4b:s1+s3], $0x80, v3, vm0, $0xb8;
	[tilespmem:$0x18180] =	vst v63  }
0x6f: {  	s17 =	simm.s32 $0x80  }
0x70: {  	[tilespmem:s17], [sflag:$0x5] =	stream.linear.gather [hbm4b:s5+s3], $0x80, $0x38;
	[tilespmem:$0x18180] =	vst v63  }
0x71: {  	_ =	swait.ge [sflag:s12], $0x80  }
0x72: {  	[sflag:s12] =	ssyncset.done $0x0  }
0x73: {  	[sflag:s12] =	ssyncadd.s32 $0xFFFFFF80  }
0x74: {  	v3 =	vld [tilespmem:$0x80];
	_ =	sdelay $0x4  }
0x75: {  	v4 =	vshll.u32 v3, $0x1  }
0x76: {  	v3 =	vand.u32 $0x7, v3;
	v4 =	vand.u32 $0xFFFFFFF0, v4  }
0x77: {  	v3 =	vor.u32 v3, v4  }
0x78: {  	v4 =	vperm.xlane v3, v0;
	_ =	sdelay $0x1  }
0x79: {  	v3 =	vperm.xlane v3, v2;
	v4 =	vadd.s32 v1, v4;
	_ =	sdelay $0x1  }
0x7a: {  	v3 =	vadd.s32 v1, v3;
	_ =	sdelay $0x2  }
0x7b: {  	[tilespmem:s31], [sflag:$0x2] =	stream.indirect_vreg.gather [hbm4b:s1+s3], $0x80, v4, vm0, $0xb8;
	[tilespmem:$0x18180] =	vst v63  }
0x7c: {  	s18 =	simm.s32 $0x8900  }
0x7d: {  	[tilespmem:s18], [sflag:$0x2] =	stream.indirect_vreg.gather [hbm4b:s1+s3], $0x80, v3, vm0, $0xb8;
	[tilespmem:$0x18180] =	vst v63  }
0x7e: {  	v3 =	vld [tilespmem:$0x90];
	_ =	sdelay $0x4  }
0x7f: {  	v4 =	vshll.u32 v3, $0x1  }
0x80: {  	v3 =	vand.u32 $0x7, v3;
	v4 =	vand.u32 $0xFFFFFFF0, v4  }
0x81: {  	v3 =	vor.u32 v3, v4  }
0x82: {  	v4 =	vperm.xlane v3, v0;
	_ =	sdelay $0x1  }
0x83: {  	v3 =	vperm.xlane v3, v2;
	v4 =	vadd.s32 v1, v4;
	_ =	sdelay $0x1  }
0x84: {  	v3 =	vadd.s32 v1, v3;
	_ =	sdelay $0x1  }
0x85: {  	s19 =	simm.s32 $0x9100  }
0x86: {  	[tilespmem:s19], [sflag:$0x2] =	stream.indirect_vreg.gather [hbm4b:s1+s3], $0x80, v4, vm0, $0xb8;
	[tilespmem:$0x18180] =	vst v63  }
0x87: {  	s20 =	simm.s32 $0x9900  }
0x88: {  	[tilespmem:s20], [sflag:$0x2] =	stream.indirect_vreg.gather [hbm4b:s1+s3], $0x80, v3, vm0, $0xb8;
	[tilespmem:$0x18180] =	vst v63  }
0x89: {  	v3 =	vld [tilespmem:$0xA0];
	_ =	sdelay $0x4  }
0x8a: {  	v4 =	vshll.u32 v3, $0x1  }
0x8b: {  	v3 =	vand.u32 $0x7, v3;
	v4 =	vand.u32 $0xFFFFFFF0, v4  }
0x8c: {  	v3 =	vor.u32 v3, v4  }
0x8d: {  	v4 =	vperm.xlane v3, v0;
	_ =	sdelay $0x1  }
0x8e: {  	v3 =	vperm.xlane v3, v2;
	v4 =	vadd.s32 v1, v4;
	_ =	sdelay $0x1  }
0x8f: {  	v3 =	vadd.s32 v1, v3;
	_ =	sdelay $0x1  }
0x90: {  	s17 =	simm.s32 $0xA100  }
0x91: {  	[tilespmem:s17], [sflag:$0x2] =	stream.indirect_vreg.gather [hbm4b:s1+s3], $0x80, v4, vm0, $0xb8;
	[tilespmem:$0x18180] =	vst v63  }
0x92: {  	s18 =	simm.s32 $0xA900  }
0x93: {  	[tilespmem:s18], [sflag:$0x2] =	stream.indirect_vreg.gather [hbm4b:s1+s3], $0x80, v3, vm0, $0xb8;
	[tilespmem:$0x18180] =	vst v63  }
0x94: {  	v3 =	vld [tilespmem:$0xB0];
	_ =	sdelay $0x4  }
0x95: {  	v4 =	vshll.u32 v3, $0x1  }
0x96: {  	v3 =	vand.u32 $0x7, v3;
	v4 =	vand.u32 $0xFFFFFFF0, v4  }
0x97: {  	v3 =	vor.u32 v3, v4  }
0x98: {  	v4 =	vperm.xlane v3, v0;
	_ =	sdelay $0x1  }
0x99: {  	v3 =	vperm.xlane v3, v2;
	v4 =	vadd.s32 v1, v4;
	_ =	sdelay $0x1  }
0x9a: {  	v3 =	vadd.s32 v1, v3;
	_ =	sdelay $0x1  }
0x9b: {  	s19 =	simm.s32 $0xB100  }
0x9c: {  	[tilespmem:s19], [sflag:$0x2] =	stream.indirect_vreg.gather [hbm4b:s1+s3], $0x80, v4, vm0, $0xb8;
	[tilespmem:$0x18180] =	vst v63  }
0x9d: {  	s20 =	simm.s32 $0xB900  }
0x9e: {  	[tilespmem:s20], [sflag:$0x2] =	stream.indirect_vreg.gather [hbm4b:s1+s3], $0x80, v3, vm0, $0xb8;
	[tilespmem:$0x18180] =	vst v63  }
0x9f: {  	v3 =	vld [tilespmem:$0xC0];
	_ =	sdelay $0x4  }
0xa0: {  	v4 =	vshll.u32 v3, $0x1  }
0xa1: {  	v3 =	vand.u32 $0x7, v3;
	v4 =	vand.u32 $0xFFFFFFF0, v4  }
0xa2: {  	v3 =	vor.u32 v3, v4  }
0xa3: {  	v4 =	vperm.xlane v3, v0;
	_ =	sdelay $0x1  }
0xa4: {  	v3 =	vperm.xlane v3, v2;
	v4 =	vadd.s32 v1, v4;
	_ =	sdelay $0x1  }
0xa5: {  	v3 =	vadd.s32 v1, v3;
	_ =	sdelay $0x1  }
0xa6: {  	s17 =	simm.s32 $0xC100  }
0xa7: {  	[tilespmem:s17], [sflag:$0x2] =	stream.indirect_vreg.gather [hbm4b:s1+s3], $0x80, v4, vm0, $0xb8;
	[tilespmem:$0x18180] =	vst v63  }
0xa8: {  	s18 =	simm.s32 $0xC900  }
0xa9: {  	[tilespmem:s18], [sflag:$0x2] =	stream.indirect_vreg.gather [hbm4b:s1+s3], $0x80, v3, vm0, $0xb8;
	[tilespmem:$0x18180] =	vst v63  }
0xaa: {  	v3 =	vld [tilespmem:$0xD0];
	_ =	sdelay $0x4  }
0xab: {  	v4 =	vshll.u32 v3, $0x1  }
0xac: {  	v3 =	vand.u32 $0x7, v3;
	v4 =	vand.u32 $0xFFFFFFF0, v4  }
0xad: {  	v3 =	vor.u32 v3, v4  }
0xae: {  	v4 =	vperm.xlane v3, v0;
	_ =	sdelay $0x1  }
0xaf: {  	v3 =	vperm.xlane v3, v2;
	v4 =	vadd.s32 v1, v4;
	_ =	sdelay $0x1  }
0xb0: {  	v3 =	vadd.s32 v1, v3;
	_ =	sdelay $0x2  }
0xb1: {  	[tilespmem:s21], [sflag:$0x2] =	stream.indirect_vreg.gather [hbm4b:s1+s3], $0x80, v4, vm0, $0xb8;
	[tilespmem:$0x18180] =	vst v63  }
0xb2: {  	_ = 	snop  }
0xb3: {  	[tilespmem:s22], [sflag:$0x2] =	stream.indirect_vreg.gather [hbm4b:s1+s3], $0x80, v3, vm0, $0xb8;
	[tilespmem:$0x18180] =	vst v63  }
0xb4: {  	v3 =	vld [tilespmem:$0xE0];
	_ =	sdelay $0x4  }
0xb5: {  	v4 =	vshll.u32 v3, $0x1  }
0xb6: {  	v3 =	vand.u32 $0x7, v3;
	v4 =	vand.u32 $0xFFFFFFF0, v4  }
0xb7: {  	v3 =	vor.u32 v3, v4  }
0xb8: {  	v4 =	vperm.xlane v3, v0;
	_ =	sdelay $0x1  }
0xb9: {  	v3 =	vperm.xlane v3, v2;
	v4 =	vadd.s32 v1, v4;
	_ =	sdelay $0x1  }
0xba: {  	v3 =	vadd.s32 v1, v3;
	_ =	sdelay $0x2  }
0xbb: {  	[tilespmem:s23], [sflag:$0x2] =	stream.indirect_vreg.gather [hbm4b:s1+s3], $0x80, v4, vm0, $0xb8;
	[tilespmem:$0x18180] =	vst v63  }
0xbc: {  	_ = 	snop  }
0xbd: {  	[tilespmem:s24], [sflag:$0x2] =	stream.indirect_vreg.gather [hbm4b:s1+s3], $0x80, v3, vm0, $0xb8;
	[tilespmem:$0x18180] =	vst v63  }
0xbe: {  	v3 =	vld [tilespmem:$0xF0];
	_ =	sdelay $0x4  }
0xbf: {  	v4 =	vshll.u32 v3, $0x1  }
0xc0: {  	v3 =	vand.u32 $0x7, v3;
	v4 =	vand.u32 $0xFFFFFFF0, v4  }
0xc1: {  	v3 =	vor.u32 v3, v4  }
0xc2: {  	v4 =	vperm.xlane v3, v0;
	_ =	sdelay $0x1  }
0xc3: {  	v3 =	vperm.xlane v3, v2;
	v4 =	vadd.s32 v1, v4;
	_ =	sdelay $0x1  }
0xc4: {  	v3 =	vadd.s32 v1, v3;
	_ =	sdelay $0x2  }
0xc5: {  	[tilespmem:s25], [sflag:$0x2] =	stream.indirect_vreg.gather [hbm4b:s1+s3], $0x80, v4, vm0, $0xb8;
	[tilespmem:$0x18180] =	vst v63  }
0xc6: {  	_ = 	snop  }
0xc7: {  	[tilespmem:s26], [sflag:$0x2] =	stream.indirect_vreg.gather [hbm4b:s1+s3], $0x80, v3, vm0, $0xb8;
	[tilespmem:$0x18180] =	vst v63  }
0xc8: {  	_ = 	snop  }
0xc9: {  	[tilespmem:s28], [sflag:$0x3] =	stream.linear.gather [hbm4b:s6+s3], $0x8000, $0x38;
	[tilespmem:$0x18180] =	vst v63  }
0xca: {  	_ =	swait.ge [sflag:s29], $0x8000  }
0xcb: {  	[sflag:s29] =	ssyncset.done $0x0  }
0xcc: {  	[sflag:s29] =	ssyncadd.s32 $0xFFFF8000  }
0xcd: {  	_ =	swait.ge [sflag:s30], $0x8000  }
0xce: {  	s19 =	sand.u32 $0x7800, s3;
	s17 =	sand.u32 $0x380, s3;
	[sflag:s30] =	ssyncset.done $0x0  }
0xcf: {  	s18 =	sor.u32 s17, s19;
	[sflag:s30] =	ssyncadd.s32 $0xFFFF8000  }
0xd0: {  	[hbm4b:s7+s3] =	stream.linear.scatter [tilespmem:s13], [sflag:$0x4], $0x8000, $0x38;
	[tilespmem:$0x18180] =	vst v63  }
0xd1: {  	v3 =	vld [tilespmem:s18+$0x10100]  }
0xd2: {  	v4 =	vld [tilespmem:s18+$0x100]  }
0xd3: {  	v5 =	vld [tilespmem:s18+$0x10110]  }
0xd4: {  	v6 =	vld [tilespmem:s18+$0x110]  }
0xd5: {  	v7 =	vld [tilespmem:s18+$0x10120]  }
0xd6: {  	v8 =	vld [tilespmem:s18+$0x120]  }
0xd7: {  	v9 =	vld [tilespmem:s18+$0x10130];
	v3 =	vsub.f32 v3, v4  }
0xd8: {  	v4 =	vld [tilespmem:s18+$0x130]  }
0xd9: {  	v10 =	vld [tilespmem:s18+$0x10140];
	v5 =	vsub.f32 v5, v6;
	v3 =	vmul.f32 v3, v3  }
0xda: {  	v11 =	vimm.f32 $0.0e+00;
	v6 =	vld [tilespmem:s18+$0x140]  }
0xdb: {  	v12 =	vld [tilespmem:s18+$0x10150];
	v7 =	vsub.f32 v7, v8;
	v5 =	vmul.f32 v5, v5;
	v3 =	vadd.f32 v3, v11  }
0xdc: {  	v8 =	vld [tilespmem:s18+$0x150]  }
0xdd: {  	v11 =	vld [tilespmem:s18+$0x10160];
	v4 =	vsub.f32 v9, v4;
	v3 =	vadd.f32 v5, v3;
	v5 =	vmul.f32 v7, v7  }
0xde: {  	v7 =	vld [tilespmem:s18+$0x160]  }
0xdf: {  	v9 =	vld [tilespmem:s18+$0x10170];
	v4 =	vmul.f32 v4, v4;
	v3 =	vadd.f32 v5, v3;
	v5 =	vsub.f32 v10, v6  }
0xe0: {  	v6 =	vld [tilespmem:s18+$0x170]  }
0xe1: {  	v10 =	vld [tilespmem:s18+$0x10500];
	v3 =	vadd.f32 v4, v3;
	v4 =	vmul.f32 v5, v5;
	v5 =	vsub.f32 v12, v8  }
0xe2: {  	v8 =	vld [tilespmem:s18+$0x500]  }
0xe3: {  	v62 =	vld [tilespmem:s18+$0x10510];
	v3 =	vadd.f32 v4, v3;
	v4 =	vmul.f32 v5, v5;
	v5 =	vsub.f32 v11, v7  }
0xe4: {  	v7 =	vld [tilespmem:s18+$0x510]  }
0xe5: {  	v11 =	vld [tilespmem:s18+$0x10520];
	v3 =	vadd.f32 v4, v3;
	v4 =	vmul.f32 v5, v5;
	v5 =	vsub.f32 v9, v6  }
0xe6: {  	v6 =	vld [tilespmem:s18+$0x520]  }
0xe7: {  	v9 =	vld [tilespmem:s18+$0x10530];
	v3 =	vadd.f32 v4, v3;
	v4 =	vmul.f32 v5, v5;
	v5 =	vsub.f32 v10, v8  }
0xe8: {  	v8 =	vld [tilespmem:s18+$0x530]  }
0xe9: {  	v13 =	vld [tilespmem:s18+$0x10540];
	v7 =	vsub.f32 v62, v7;
	v4 =	vadd.f32 v4, v3;
	v5 =	vmul.f32 v5, v5  }
0xea: {  	v63 =	vld [tilespmem:s18+$0x540]  }
0xeb: {  	v3 =	vld [tilespmem:s18+$0x10550];
	v7 =	vmul.f32 v7, v7;
	v6 =	vsub.f32 v11, v6;
	v10 =	vadd.f32 v5, v4  }
0xec: {  	v5 =	vld [tilespmem:s18+$0x550]  }
0xed: {  	v4 =	vld [tilespmem:s18+$0x10560];
	v11 =	vmul.f32 v6, v6;
	v8 =	vsub.f32 v9, v8;
	v10 =	vadd.f32 v7, v10  }
0xee: {  	s20 =	simm.s32 $0x100;
	s17 =	simm.s32 $0x80;
	v6 =	vld [tilespmem:s18+$0x560]  }
0xef: {  	s16 =	sand.u32 $0x7800, s20;
	s19 =	sand.u32 $0x380, s17;
	v7 =	vld [tilespmem:s18+$0x10570];
	v9 =	vadd.f32 v11, v10;
	v10 =	vmul.f32 v8, v8;
	v11 =	vsub.f32 v13, v63  }
0xf0: {  	s16 =	sor.u32 s19, s16;
	v8 =	vld [tilespmem:s18+$0x570];
	s18 =	simm.s32 $0x200  }
.LBB2_2:
0xf1: {  	p0 =	sne.s32 s18, $0x7F00;
	v12 =	vld [tilespmem:s16+$0x10100];
	v9 =	vadd.f32 v10, v9;
	v10 =	vmul.f32 v11, v11;
	v3 =	vsub.f32 v3, v5  }
0xf2: {  	v5 =	vld [tilespmem:s16+$0x100]  }
0xf3: {  	v11 =	vld [tilespmem:s16+$0x10110];
	v9 =	vadd.f32 v10, v9;
	v3 =	vmul.f32 v3, v3;
	v4 =	vsub.f32 v4, v6  }
0xf4: {  	v6 =	vld [tilespmem:s16+$0x110]  }
0xf5: {  	v10 =	vld [tilespmem:s16+$0x10120];
	v3 =	vadd.f32 v3, v9;
	v4 =	vmul.f32 v4, v4;
	v7 =	vsub.f32 v7, v8  }
0xf6: {  	v8 =	vld [tilespmem:s16+$0x120]  }
0xf7: {  	v5 =	vsub.f32 v12, v5;
	v9 =	vld [tilespmem:s16+$0x10130];
	v3 =	vadd.f32 v4, v3;
	v4 =	vmul.f32 v7, v7  }
0xf8: {  	v7 =	vld [tilespmem:s16+$0x130]  }
0xf9: {  	v5 =	vmul.f32 v5, v5;
	v6 =	vsub.f32 v11, v6;
	v11 =	vld [tilespmem:s16+$0x10140];
	v3 =	vadd.f32 v4, v3  }
0xfa: {  	v4 =	vld [tilespmem:s16+$0x140]  }
0xfb: {  	v3 =	vadd.f32 v5, v3;
	v5 =	vmul.f32 v6, v6;
	v6 =	vsub.f32 v10, v8;
	v8 =	vld [tilespmem:s16+$0x10150]  }
0xfc: {  	v10 =	vld [tilespmem:s16+$0x150]  }
0xfd: {  	v3 =	vadd.f32 v5, v3;
	v5 =	vmul.f32 v6, v6;
	v6 =	vsub.f32 v9, v7;
	v7 =	vld [tilespmem:s16+$0x10160]  }
0xfe: {  	v9 =	vld [tilespmem:s16+$0x160]  }
0xff: {  	v3 =	vadd.f32 v5, v3;
	v5 =	vmul.f32 v6, v6;
	v4 =	vsub.f32 v11, v4;
	v6 =	vld [tilespmem:s16+$0x10170]  }
0x100: {  	v11 =	vld [tilespmem:s16+$0x170]  }
0x101: {  	v3 =	vadd.f32 v5, v3;
	v4 =	vmul.f32 v4, v4;
	v5 =	vsub.f32 v8, v10;
	v8 =	vld [tilespmem:s16+$0x10500]  }
0x102: {  	v10 =	vld [tilespmem:s16+$0x500]  }
0x103: {  	v3 =	vadd.f32 v4, v3;
	v4 =	vmul.f32 v5, v5;
	v5 =	vsub.f32 v7, v9;
	v7 =	vld [tilespmem:s16+$0x10510]  }
0x104: {  	v9 =	vld [tilespmem:s16+$0x510]  }
0x105: {  	v3 =	vadd.f32 v4, v3;
	v4 =	vmul.f32 v5, v5;
	v5 =	vsub.f32 v6, v11;
	v6 =	vld [tilespmem:s16+$0x10520]  }
0x106: {  	v11 =	vld [tilespmem:s16+$0x520]  }
0x107: {  	v3 =	vadd.f32 v4, v3;
	v4 =	vmul.f32 v5, v5;
	v5 =	vsub.f32 v8, v10;
	v8 =	vld [tilespmem:s16+$0x10530]  }
0x108: {  	v10 =	vld [tilespmem:s16+$0x530]  }
0x109: {  	v3 =	vadd.f32 v4, v3;
	v4 =	vmul.f32 v5, v5;
	v5 =	vsub.f32 v7, v9;
	v7 =	vld [tilespmem:s16+$0x10540]  }
0x10a: {  	v12 =	vld [tilespmem:s16+$0x540]  }
0x10b: {  	v4 =	vadd.f32 v4, v3;
	v9 =	vmul.f32 v5, v5;
	v6 =	vsub.f32 v6, v11;
	v3 =	vld [tilespmem:s16+$0x10550]  }
.Ltmp0:
0x10c: {  	v5 =	vld [tilespmem:s16+$0x550];
	(pc) =	sbr.rel @p0 .LBB2_2-.Ltmp0, $4  }
0x10d: {  	v9 =	vadd.f32 v9, v4;
	v11 =	vmul.f32 v6, v6;
	v8 =	vsub.f32 v8, v10;
	v4 =	vld [tilespmem:s16+$0x10560]  }
0x10e: {  	s17 =	sadd.s32 $0x80, s17;
	v6 =	vld [tilespmem:s16+$0x560]  }
0x10f: {  	s19 =	sand.u32 $0x7800, s18;
	s20 =	sand.u32 $0x380, s17;
	v9 =	vadd.f32 v11, v9;
	v10 =	vmul.f32 v8, v8;
	v11 =	vsub.f32 v7, v12;
	v7 =	vld [tilespmem:s16+$0x10570]  }
0x110: {  	s18 =	sadd.s32 $0x100, s18;
	v8 =	vld [tilespmem:s16+$0x570];
	s16 =	sor.u32 s20, s19  }
0x111: {  	v12 =	vld [tilespmem:s16+$0x10100]  }
0x112: {  	v13 =	vld [tilespmem:s16+$0x100]  }
0x113: {  	v14 =	vld [tilespmem:s16+$0x10110]  }
0x114: {  	v15 =	vld [tilespmem:s16+$0x110]  }
0x115: {  	v16 =	vld [tilespmem:s16+$0x10120]  }
0x116: {  	v17 =	vld [tilespmem:s16+$0x120]  }
0x117: {  	v18 =	vld [tilespmem:s16+$0x10130]  }
0x118: {  	v19 =	vld [tilespmem:s16+$0x130]  }
0x119: {  	v20 =	vld [tilespmem:s16+$0x10140];
	v9 =	vadd.f32 v10, v9;
	v10 =	vmul.f32 v11, v11;
	v3 =	vsub.f32 v3, v5  }
0x11a: {  	v21 =	vld [tilespmem:s16+$0x140]  }
0x11b: {  	v22 =	vld [tilespmem:s16+$0x10150];
	v9 =	vadd.f32 v10, v9;
	v3 =	vmul.f32 v3, v3;
	v4 =	vsub.f32 v4, v6  }
0x11c: {  	v5 =	vld [tilespmem:s16+$0x150]  }
0x11d: {  	v11 =	vld [tilespmem:s16+$0x10160];
	v3 =	vadd.f32 v3, v9;
	v4 =	vmul.f32 v4, v4;
	v7 =	vsub.f32 v7, v8  }
0x11e: {  	v41 =	vld [tilespmem:s16+$0x10510]  }
0x11f: {  	v42 =	vld [tilespmem:s16+$0x10520];
	v12 =	vsub.f32 v12, v13;
	v3 =	vadd.f32 v4, v3;
	v4 =	vmul.f32 v7, v7  }
0x120: {  	v45 =	vld [tilespmem:s16+$0x520]  }
0x121: {  	v46 =	vld [tilespmem:s16+$0x10530];
	v14 =	vsub.f32 v14, v15;
	v12 =	vmul.f32 v12, v12;
	v3 =	vadd.f32 v4, v3  }
0x122: {  	v49 =	vld [tilespmem:s16+$0x530]  }
0x123: {  	v50 =	vld [tilespmem:s16+$0x10540];
	v44 =	vsub.f32 v16, v17;
	v43 =	vmul.f32 v14, v14;
	v3 =	vadd.f32 v12, v3  }
0x124: {  	v53 =	vld [tilespmem:s16+$0x540]  }
0x125: {  	v54 =	vld [tilespmem:s16+$0x10550];
	v48 =	vsub.f32 v18, v19;
	v47 =	vmul.f32 v44, v44;
	v3 =	vadd.f32 v43, v3  }
0x126: {  	v6 =	vld [tilespmem:s16+$0x160]  }
0x127: {  	v10 =	vld [tilespmem:s16+$0x10170];
	v52 =	vsub.f32 v20, v21;
	v51 =	vmul.f32 v48, v48;
	v3 =	vadd.f32 v47, v3  }
0x128: {  	v8 =	vld [tilespmem:s16+$0x170]  }
0x129: {  	v9 =	vld [tilespmem:s16+$0x10500];
	v5 =	vsub.f32 v22, v5;
	v55 =	vmul.f32 v52, v52;
	v3 =	vadd.f32 v51, v3  }
0x12a: {  	v7 =	vld [tilespmem:s16+$0x500]  }
0x12b: {  	v56 =	vld [tilespmem:s16+$0x550];
	v5 =	vmul.f32 v5, v5;
	v6 =	vsub.f32 v11, v6;
	v3 =	vadd.f32 v55, v3  }
0x12c: {  	v4 =	vld [tilespmem:s16+$0x510]  }
0x12d: {  	v57 =	vld [tilespmem:s16+$0x10560];
	v3 =	vadd.f32 v5, v3;
	v5 =	vmul.f32 v6, v6;
	v6 =	vsub.f32 v10, v8  }
0x12e: {  	v58 =	vld [tilespmem:s16+$0x10570]  }
0x12f: {  	s19 =	simm.s32 $0x0;
	v11 =	vld [tilespmem:s16+$0x560];
	v3 =	vadd.f32 v5, v3;
	v5 =	vsub.f32 v9, v7;
	v6 =	vmul.f32 v6, v6  }
0x130: {  	v8 =	vld [tilespmem:s16+$0x570];
	[tilespmem:s28], [sflag:$0x5] =	stream.linear.gather [hbm4b:s8+s19], $0x8000, $0x38  }
0x131: {  	v4 =	vsub.f32 v41, v4;
	_ =	swait.ge [sflag:s12], $0x8000;
	v3 =	vadd.f32 v6, v3;
	v5 =	vmul.f32 v5, v5  }
0x132: {  	[sflag:s12] =	ssyncset.done $0x0  }
0x133: {  	v4 =	vmul.f32 v4, v4;
	[sflag:s12] =	ssyncadd.s32 $0xFFFF8000;
	v3 =	vadd.f32 v5, v3;
	v5 =	vsub.f32 v42, v45  }
0x134: {  	_ =	swait.ge [sflag:s0], $0x8000  }
0x135: {  	[sflag:s0] =	ssyncset.done $0x0;
	v3 =	vadd.f32 v4, v3;
	v4 =	vsub.f32 v46, v49;
	v5 =	vmul.f32 v5, v5  }
0x136: {  	s17 =	sand.u32 $0x7800, s19;
	s16 =	sand.u32 $0x380, s19;
	[sflag:s0] =	ssyncadd.s32 $0xFFFF8000  }
0x137: {  	[hbm4b:s9+s19] =	stream.linear.scatter [tilespmem:s31], [sflag:$0x4], $0x8000, $0x38;
	v3 =	vadd.f32 v5, v3;
	v4 =	vmul.f32 v4, v4;
	v5 =	vsub.f32 v50, v53;
	[tilespmem:$0x18180] =	vst v63  }
0x138: {  	s19 =	sor.u32 s16, s17  }
0x139: {  	v6 =	vld [tilespmem:s19+$0x10100];
	v3 =	vadd.f32 v4, v3;
	v4 =	vmul.f32 v5, v5;
	v5 =	vsub.f32 v54, v56  }
0x13a: {  	v7 =	vld [tilespmem:s19+$0x8100]  }
0x13b: {  	v9 =	vld [tilespmem:s19+$0x10110];
	v3 =	vadd.f32 v4, v3;
	v4 =	vmul.f32 v5, v5;
	v5 =	vsub.f32 v57, v11  }
0x13c: {  	v10 =	vld [tilespmem:s19+$0x8110]  }
0x13d: {  	v11 =	vld [tilespmem:s19+$0x10120];
	v3 =	vadd.f32 v4, v3;
	v4 =	vmul.f32 v5, v5;
	v5 =	vsub.f32 v58, v8  }
0x13e: {  	v8 =	vld [tilespmem:s19+$0x8120]  }
0x13f: {  	v59 =	vld [tilespmem:s19+$0x10130];
	v3 =	vadd.f32 v4, v3;
	v4 =	vmul.f32 v5, v5;
	v5 =	vsub.f32 v6, v7  }
0x140: {  	v6 =	vld [tilespmem:s19+$0x8130]  }
0x141: {  	v7 =	vld [tilespmem:s19+$0x10140];
	v3 =	vadd.f32 v4, v3;
	v4 =	vmul.f32 v5, v5;
	v5 =	vsub.f32 v9, v10  }
0x142: {  	v9 =	vld [tilespmem:s19+$0x8140]  }
0x143: {  	v10 =	vld [tilespmem:s19+$0x10150];
	v3 =	vadd.f32 v4, v3;
	v4 =	vmul.f32 v5, v5;
	v5 =	vsub.f32 v11, v8  }
0x144: {  	v8 =	vld [tilespmem:s19+$0x8150]  }
0x145: {  	v11 =	vld [tilespmem:s19+$0x10160];
	v3 =	vadd.f32 v4, v3;
	v4 =	vmul.f32 v5, v5;
	v5 =	vsub.f32 v59, v6  }
0x146: {  	v6 =	vld [tilespmem:s19+$0x8160]  }
0x147: {  	v60 =	vld [tilespmem:s19+$0x10170];
	v3 =	vadd.f32 v4, v3;
	v4 =	vmul.f32 v5, v5;
	v5 =	vsub.f32 v7, v9  }
0x148: {  	v7 =	vld [tilespmem:s19+$0x8170]  }
0x149: {  	v9 =	vld [tilespmem:s19+$0x10500];
	v3 =	vadd.f32 v4, v3;
	v4 =	vmul.f32 v5, v5;
	v5 =	vsub.f32 v10, v8  }
0x14a: {  	v8 =	vld [tilespmem:s19+$0x8500]  }
0x14b: {  	v10 =	vld [tilespmem:s19+$0x10510];
	v3 =	vadd.f32 v4, v3;
	v4 =	vmul.f32 v5, v5;
	v5 =	vsub.f32 v11, v6  }
0x14c: {  	v6 =	vld [tilespmem:s19+$0x8510]  }
0x14d: {  	v11 =	vld [tilespmem:s19+$0x10520];
	v3 =	vadd.f32 v4, v3;
	v4 =	vmul.f32 v5, v5;
	v5 =	vsub.f32 v60, v7  }
0x14e: {  	v7 =	vld [tilespmem:s19+$0x8520]  }
0x14f: {  	v61 =	vld [tilespmem:s19+$0x10530];
	v3 =	vadd.f32 v4, v3;
	v4 =	vmul.f32 v5, v5;
	v5 =	vsub.f32 v9, v8  }
0x150: {  	v8 =	vld [tilespmem:s19+$0x8530]  }
0x151: {  	v62 =	vld [tilespmem:s19+$0x10540];
	v6 =	vsub.f32 v10, v6;
	v4 =	vadd.f32 v4, v3;
	v5 =	vmul.f32 v5, v5  }
0x152: {  	v63 =	vld [tilespmem:s19+$0x8540]  }
0x153: {  	v3 =	vld [tilespmem:s19+$0x10550];
	v6 =	vmul.f32 v6, v6;
	v7 =	vsub.f32 v11, v7;
	v9 =	vadd.f32 v5, v4  }
0x154: {  	v5 =	vld [tilespmem:s19+$0x8550]  }
0x155: {  	v4 =	vld [tilespmem:s19+$0x10560];
	v10 =	vmul.f32 v7, v7;
	v8 =	vsub.f32 v61, v8;
	v9 =	vadd.f32 v6, v9  }
0x156: {  	s20 =	simm.s32 $0x100;
	s17 =	simm.s32 $0x80;
	v6 =	vld [tilespmem:s19+$0x8560]  }
0x157: {  	s16 =	sand.u32 $0x7800, s20;
	s18 =	sand.u32 $0x380, s17;
	v11 =	vsub.f32 v62, v63;
	v7 =	vld [tilespmem:s19+$0x10570];
	v9 =	vadd.f32 v10, v9;
	v10 =	vmul.f32 v8, v8  }
0x158: {  	s16 =	sor.u32 s18, s16;
	s18 =	simm.s32 $0x200;
	v8 =	vld [tilespmem:s19+$0x8570]  }
.LBB2_4:
0x159: {  	p0 =	sne.s32 s18, $0x7F00;
	v12 =	vld [tilespmem:s16+$0x10100];
	v9 =	vadd.f32 v10, v9;
	v10 =	vmul.f32 v11, v11;
	v3 =	vsub.f32 v3, v5  }
0x15a: {  	v5 =	vld [tilespmem:s16+$0x8100]  }
0x15b: {  	v11 =	vld [tilespmem:s16+$0x10110];
	v9 =	vadd.f32 v10, v9;
	v3 =	vmul.f32 v3, v3;
	v4 =	vsub.f32 v4, v6  }
0x15c: {  	v6 =	vld [tilespmem:s16+$0x8110]  }
0x15d: {  	v10 =	vld [tilespmem:s16+$0x10120];
	v3 =	vadd.f32 v3, v9;
	v4 =	vmul.f32 v4, v4;
	v7 =	vsub.f32 v7, v8  }
0x15e: {  	v8 =	vld [tilespmem:s16+$0x8120]  }
0x15f: {  	v5 =	vsub.f32 v12, v5;
	v9 =	vld [tilespmem:s16+$0x10130];
	v3 =	vadd.f32 v4, v3;
	v4 =	vmul.f32 v7, v7  }
0x160: {  	v7 =	vld [tilespmem:s16+$0x8130]  }
0x161: {  	v5 =	vmul.f32 v5, v5;
	v6 =	vsub.f32 v11, v6;
	v11 =	vld [tilespmem:s16+$0x10140];
	v3 =	vadd.f32 v4, v3  }
0x162: {  	v4 =	vld [tilespmem:s16+$0x8140]  }
0x163: {  	v3 =	vadd.f32 v5, v3;
	v5 =	vmul.f32 v6, v6;
	v6 =	vsub.f32 v10, v8;
	v8 =	vld [tilespmem:s16+$0x10150]  }
0x164: {  	v10 =	vld [tilespmem:s16+$0x8150]  }
0x165: {  	v3 =	vadd.f32 v5, v3;
	v5 =	vmul.f32 v6, v6;
	v6 =	vsub.f32 v9, v7;
	v7 =	vld [tilespmem:s16+$0x10160]  }
0x166: {  	v9 =	vld [tilespmem:s16+$0x8160]  }
0x167: {  	v3 =	vadd.f32 v5, v3;
	v5 =	vmul.f32 v6, v6;
	v4 =	vsub.f32 v11, v4;
	v6 =	vld [tilespmem:s16+$0x10170]  }
0x168: {  	v11 =	vld [tilespmem:s16+$0x8170]  }
0x169: {  	v3 =	vadd.f32 v5, v3;
	v4 =	vmul.f32 v4, v4;
	v5 =	vsub.f32 v8, v10;
	v8 =	vld [tilespmem:s16+$0x10500]  }
0x16a: {  	v10 =	vld [tilespmem:s16+$0x8500]  }
0x16b: {  	v3 =	vadd.f32 v4, v3;
	v4 =	vmul.f32 v5, v5;
	v5 =	vsub.f32 v7, v9;
	v7 =	vld [tilespmem:s16+$0x10510]  }
0x16c: {  	v9 =	vld [tilespmem:s16+$0x8510]  }
0x16d: {  	v3 =	vadd.f32 v4, v3;
	v4 =	vmul.f32 v5, v5;
	v5 =	vsub.f32 v6, v11;
	v6 =	vld [tilespmem:s16+$0x10520]  }
0x16e: {  	v11 =	vld [tilespmem:s16+$0x8520]  }
0x16f: {  	v3 =	vadd.f32 v4, v3;
	v4 =	vmul.f32 v5, v5;
	v5 =	vsub.f32 v8, v10;
	v8 =	vld [tilespmem:s16+$0x10530]  }
0x170: {  	v10 =	vld [tilespmem:s16+$0x8530]  }
0x171: {  	v3 =	vadd.f32 v4, v3;
	v4 =	vmul.f32 v5, v5;
	v5 =	vsub.f32 v7, v9;
	v7 =	vld [tilespmem:s16+$0x10540]  }
0x172: {  	v12 =	vld [tilespmem:s16+$0x8540]  }
0x173: {  	v4 =	vadd.f32 v4, v3;
	v9 =	vmul.f32 v5, v5;
	v6 =	vsub.f32 v6, v11;
	v3 =	vld [tilespmem:s16+$0x10550]  }
.Ltmp1:
0x174: {  	v5 =	vld [tilespmem:s16+$0x8550];
	(pc) =	sbr.rel @p0 .LBB2_4-.Ltmp1, $4  }
0x175: {  	v9 =	vadd.f32 v9, v4;
	v11 =	vmul.f32 v6, v6;
	v8 =	vsub.f32 v8, v10;
	v4 =	vld [tilespmem:s16+$0x10560]  }
0x176: {  	s17 =	sadd.s32 $0x80, s17;
	v6 =	vld [tilespmem:s16+$0x8560]  }
0x177: {  	s19 =	sand.u32 $0x7800, s18;
	s20 =	sand.u32 $0x380, s17;
	v9 =	vadd.f32 v11, v9;
	v10 =	vmul.f32 v8, v8;
	v11 =	vsub.f32 v7, v12;
	v7 =	vld [tilespmem:s16+$0x10570]  }
0x178: {  	s18 =	sadd.s32 $0x100, s18;
	v8 =	vld [tilespmem:s16+$0x8570];
	s16 =	sor.u32 s20, s19  }
0x179: {  	v12 =	vld [tilespmem:s16+$0x10100];
	v9 =	vadd.f32 v10, v9;
	v56 =	vmul.f32 v11, v11;
	v3 =	vsub.f32 v3, v5  }
0x17a: {  	v57 =	vld [tilespmem:s16+$0x8100]  }
0x17b: {  	v58 =	vld [tilespmem:s16+$0x10110];
	v9 =	vadd.f32 v56, v9;
	v3 =	vmul.f32 v3, v3;
	v4 =	vsub.f32 v4, v6  }
0x17c: {  	v59 =	vld [tilespmem:s16+$0x8110]  }
0x17d: {  	v60 =	vld [tilespmem:s16+$0x10120];
	v3 =	vadd.f32 v3, v9;
	v4 =	vmul.f32 v4, v4;
	v7 =	vsub.f32 v7, v8  }
0x17e: {  	v61 =	vld [tilespmem:s16+$0x8120]  }
0x17f: {  	v62 =	vld [tilespmem:s16+$0x10130];
	v5 =	vsub.f32 v12, v57;
	v3 =	vadd.f32 v4, v3;
	v63 =	vmul.f32 v7, v7  }
0x180: {  	v12 =	vld [tilespmem:s16+$0x8130]  }
0x181: {  	v13 =	vld [tilespmem:s16+$0x10140];
	v6 =	vsub.f32 v58, v59;
	v5 =	vmul.f32 v5, v5;
	v3 =	vadd.f32 v63, v3  }
0x182: {  	v14 =	vld [tilespmem:s16+$0x8140]  }
0x183: {  	v17 =	vld [tilespmem:s16+$0x10150];
	v16 =	vsub.f32 v60, v61;
	v15 =	vmul.f32 v6, v6;
	v3 =	vadd.f32 v5, v3  }
0x184: {  	v18 =	vld [tilespmem:s16+$0x8150]  }
0x185: {  	v21 =	vld [tilespmem:s16+$0x10160];
	v19 =	vmul.f32 v16, v16;
	v20 =	vsub.f32 v62, v12;
	v3 =	vadd.f32 v15, v3  }
0x186: {  	v22 =	vld [tilespmem:s16+$0x8160]  }
0x187: {  	v24 =	vld [tilespmem:s16+$0x10170];
	v4 =	vsub.f32 v13, v14;
	v23 =	vmul.f32 v20, v20;
	v3 =	vadd.f32 v19, v3  }
0x188: {  	v25 =	vld [tilespmem:s16+$0x8170]  }
0x189: {  	v27 =	vld [tilespmem:s16+$0x10500];
	v26 =	vsub.f32 v17, v18;
	v4 =	vmul.f32 v4, v4;
	v3 =	vadd.f32 v23, v3  }
0x18a: {  	v28 =	vld [tilespmem:s16+$0x8500]  }
0x18b: {  	v31 =	vld [tilespmem:s16+$0x10510];
	v30 =	vsub.f32 v21, v22;
	v29 =	vmul.f32 v26, v26;
	v3 =	vadd.f32 v4, v3  }
0x18c: {  	v32 =	vld [tilespmem:s16+$0x8510]  }
0x18d: {  	v35 =	vld [tilespmem:s16+$0x10520];
	v34 =	vsub.f32 v24, v25;
	v33 =	vmul.f32 v30, v30;
	v3 =	vadd.f32 v29, v3  }
0x18e: {  	v36 =	vld [tilespmem:s16+$0x8520]  }
0x18f: {  	v39 =	vld [tilespmem:s16+$0x10530];
	v38 =	vsub.f32 v27, v28;
	v37 =	vmul.f32 v34, v34;
	v3 =	vadd.f32 v33, v3  }
0x190: {  	v40 =	vld [tilespmem:s16+$0x8530]  }
0x191: {  	v43 =	vld [tilespmem:s16+$0x10540];
	v42 =	vsub.f32 v31, v32;
	v41 =	vmul.f32 v38, v38;
	v3 =	vadd.f32 v37, v3  }
0x192: {  	v44 =	vld [tilespmem:s16+$0x8540]  }
0x193: {  	v47 =	vld [tilespmem:s16+$0x10550];
	v46 =	vsub.f32 v35, v36;
	v45 =	vmul.f32 v42, v42;
	v3 =	vadd.f32 v41, v3  }
0x194: {  	v48 =	vld [tilespmem:s16+$0x8550]  }
0x195: {  	v51 =	vld [tilespmem:s16+$0x10560];
	v50 =	vsub.f32 v39, v40;
	v49 =	vmul.f32 v46, v46;
	v3 =	vadd.f32 v45, v3  }
0x196: {  	v52 =	vld [tilespmem:s16+$0x8560]  }
0x197: {  	v55 =	vld [tilespmem:s16+$0x10570];
	v54 =	vsub.f32 v43, v44;
	v53 =	vmul.f32 v50, v50;
	v3 =	vadd.f32 v49, v3  }
0x198: {  	v56 =	vld [tilespmem:s16+$0x8570]  }
0x199: {  	v58 =	vsub.f32 v47, v48;
	v57 =	vmul.f32 v54, v54;
	v3 =	vadd.f32 v53, v3;
	_ =	sdelay $0x1  }
0x19a: {  	v60 =	vsub.f32 v51, v52;
	v59 =	vmul.f32 v58, v58;
	v3 =	vadd.f32 v57, v3;
	_ =	sdelay $0x1  }
0x19b: {  	v61 =	vmul.f32 v60, v60;
	v62 =	vsub.f32 v55, v56;
	v3 =	vadd.f32 v59, v3;
	_ =	sdelay $0x1  }
0x19c: {  	v63 =	vmul.f32 v62, v62;
	v3 =	vadd.f32 v61, v3;
	_ =	sdelay $0x1  }
0x19d: {  	v3 =	vadd.f32 v63, v3;
	_ =	sdelay $0x1  }
0x19e: {  	v3 =	vmul.f32 $1.525878910e-04, v3;
	_ =	sdelay $0x1  }
0x19f: {  	[tilespmem:$0x18100] =	vst v3  }
0x1a0: {  	_ =	swait.ge [sflag:s2], $0x8000  }
0x1a1: {  	[sflag:s2] =	ssyncset.done $0x0  }
0x1a2: {  	[sflag:s2] =	ssyncadd.s32 $0xFFFF8000  }
0x1a3: {  	s15 =	sadd.s32 $0x1, s15;
	_ =	swait.ge [sflag:s2], $0x8000  }
0x1a4: {  	p0 =	sne.s32 s15, s11;
	[sflag:s2] =	ssyncset.done $0x0  }
.Ltmp2:
0x1a5: {  	[sflag:s2] =	ssyncadd.s32 $0xFFFF8000;
	(pc) =	sbr.rel @p0 .LBB2_1-.Ltmp2, $4  }
0x1a6: {  	[hbm4b:s10+s3] =	stream.linear.scatter [tilespmem:s14], [sflag:$0x5], $0x80, $0x38;
	[tilespmem:$0x18180] =	vst v63  }
0x1a7: {  	_ =	swait.ge [sflag:s12], $0x80  }
0x1a8: {  	[sflag:s12] =	ssyncset.done $0x0  }
0x1a9: {  	[sflag:s12] =	ssyncadd.s32 $0xFFFFFF80  }
0x1aa: {  	_ =	sfence.sel $0x180000  }
0x1ab: {  	[bflag:$0x0] =	sbarrier.arrive $0xFFFF  }
0x1ac: {  	_ =	strace $0x90000047  }
0x1ad: {  	s0 =	stileid.u32;
	[bflag:$0x2] =	sbarrier.arrive $0xFFFF  }
0x1ae: {  	p0 =	sne.s32 s0, $0x0;
	s0 =	rddreg [dreg:$0x5]  }
0x1af: {  	s0 =	sadd.s32 @!p0 $0x100000, s0  }
0x1b0: {  	[sflag:s0] =	ssyncadd.tile.s32 @!p0 $0x1;
	_ =	shalt  }
.Lfunc_end2:
_tile_overlayer_lowered:
.L_overlay_start_2:
0x1b1: {  	(tag) =	ssettag $0x2  }
0x1b2: {  	s0 =	rddreg [dreg:$0x0];
	s2 =	stileid.u32  }
0x1b3: {  	s1 =	rddreg [dreg:$0x1];
	p0 =	sne.s32 s2, $0x0  }
0x1b4: {  	s3 =	rddreg [dreg:$0x2];
	[bflag:$0x3] =	sbarrier.arrive $0xFFFF;
	s2 =	simm.s32 @!p0 $0x1C05  }
0x1b5: {  	[timem:s3], [sflag:s2] =	dma.local @!p0 [hbm:s0], s1  }
0x1b6: {  	s0 =	simm.s32 @!p0 $0x5  }
0x1b7: {  	_ =	swait.ge @!p0 [sflag:s0], s1  }
0x1b8: {  	s1 =	ssub.s32 @!p0 $0x0, s1;
	[sflag:s0] =	ssyncset.done @!p0 $0x0  }
0x1b9: {  	[sflag:s0] =	ssyncadd.s32 @!p0 s1  }
0x1ba: {  	[bflag:$0x3] =	sbarrier.arrive $0xFFFF  }
0x1bb: {  	_ =	shalt  }

</sc_bundles>
